<compile_context>
chip_gen: v7x
topology: tpu7x:2x2x1
jax: 0.10.2.dev20260603
libtpu: 0.0.44.dev20260713+nightly
codegen_flags: <defaults>
</compile_context>

<pallas_src>
import functools

import jax
import jax.numpy as jnp
from jax import lax
from jax.experimental import pallas as pl
from jax.experimental.pallas import tpu as pltpu
from jax.experimental.pallas import tpu_sc as plsc

N_NODES = 10000
E_EDGES = 320000
D_IN = 128
D_MID = 96
D_OUT = 64

NC = 2
NS = 16
BT = 128
NB = 80
N_PAD = 10112
E_PAD = NC * NS * NB * BT
RPT = N_PAD // NS
DW = 8

_MESH = plsc.VectorSubcoreMesh(
    core_axis_name="c", subcore_axis_name="s", num_cores=NC, num_subcores=NS
)


def _deg_body(dst_hbm, ones_hbm, zeros_hbm, out_hbm, didx_v, ones_v, acc_sh):
    c = lax.axis_index("c")
    s = lax.axis_index("s")
    pltpu.sync_copy(ones_hbm, ones_v)
    pltpu.sync_copy(dst_hbm.at[c, s], didx_v)
    pltpu.sync_copy(zeros_hbm, acc_sh.at[pl.ds(s * RPT, RPT)])
    plsc.subcore_barrier()

    def body(j, carry):
        pltpu.sync_copy(ones_v, acc_sh.at[didx_v.at[j]], add=True)
        return carry

    lax.fori_loop(0, NB, body, 0)
    plsc.subcore_barrier()
    pltpu.sync_copy(
        acc_sh.at[pl.ds(s * RPT, RPT)], out_hbm.at[c, pl.ds(s * RPT, RPT)]
    )


_deg_call = functools.partial(
    pl.kernel,
    out_type=jax.ShapeDtypeStruct((NC, N_PAD, DW), jnp.float32),
    mesh=_MESH,
    compiler_params=pltpu.CompilerParams(use_tc_tiling_on_sc=False),
    scratch_types=[
        pltpu.VMEM((NB, BT), jnp.int32),
        pltpu.VMEM((BT, DW), jnp.float32),
        pltpu.VMEM_SHARED((N_PAD, DW), jnp.float32),
    ],
)(_deg_body)


K_RING = 2
NB0 = 120
NB1 = 40
EB = NC * NS * NB // 2 * 2


def _agg_body(table_hbm, src_hbm, dst_hbm, zeros_hbm, out_hbm,
              sidx_v, didx_v, *rest):
    bufs = rest[:K_RING]
    acc_sh = rest[K_RING]
    sems = rest[K_RING + 1:]
    c = lax.axis_index("c")
    s = lax.axis_index("s")
    base = jnp.where(c == 0, s * NB0, NS * NB0 + s * NB1)
    nb = jnp.where(c == 0, NB0, NB1)
    pltpu.sync_copy(src_hbm.at[pl.ds(base, NB1)], sidx_v.at[pl.ds(0, NB1)])
    pltpu.sync_copy(dst_hbm.at[pl.ds(base, NB1)], didx_v.at[pl.ds(0, NB1)])

    @pl.when(c == 0)
    def _():
        pltpu.sync_copy(src_hbm.at[pl.ds(base + NB1, NB0 - NB1)],
                        sidx_v.at[pl.ds(NB1, NB0 - NB1)])
        pltpu.sync_copy(dst_hbm.at[pl.ds(base + NB1, NB0 - NB1)],
                        didx_v.at[pl.ds(NB1, NB0 - NB1)])

    pltpu.sync_copy(zeros_hbm, acc_sh.at[pl.ds(s * RPT, RPT)])
    plsc.subcore_barrier()

    if False:
        nb = nb
    else:
        for b in range(K_RING):
            pltpu.async_copy(table_hbm.at[sidx_v.at[b]], bufs[b], sems[b])

        def body(i, carry):
            j0 = i * K_RING
            for b in range(K_RING):
                j = j0 + b
                buf, sem = bufs[b], sems[b]
                pltpu.make_async_copy(table_hbm.at[sidx_v.at[j]], buf, sem).wait()

                @pl.when(j + K_RING < nb)
                def _():
                    pltpu.async_copy(table_hbm.at[sidx_v.at[j + K_RING]], buf, sem)

            return carry

        lax.fori_loop(0, nb // K_RING, body, 0)
    plsc.subcore_barrier()
    pltpu.sync_copy(
        acc_sh.at[pl.ds(s * RPT, RPT)], out_hbm.at[c, pl.ds(s * RPT, RPT)]
    )


_agg_call = functools.partial(
    pl.kernel,
    out_type=jax.ShapeDtypeStruct((NC, N_PAD, D_MID), jnp.float32),
    mesh=_MESH,
    compiler_params=pltpu.CompilerParams(use_tc_tiling_on_sc=False),
    scratch_types=[
        pltpu.VMEM((NB0, BT), jnp.int32),
        pltpu.VMEM((NB0, BT), jnp.int32),
    ] + [pltpu.VMEM((BT, 48), jnp.float32) for _ in range(K_RING)] + [
        pltpu.VMEM_SHARED((N_PAD, D_MID), jnp.float32),
    ] + [pltpu.SemaphoreType.DMA for _ in range(K_RING)],
)(_agg_body)


_BM = 1264


def _tc1_body(x_ref, w1_ref, degp_ref, hs1_ref, dinv_ref):
    deg = degp_ref[0] + degp_ref[1] + 1.0
    dinv = lax.rsqrt(deg)
    dinv_ref[...] = dinv
    h = jnp.dot(x_ref[...], w1_ref[...], preferred_element_type=jnp.float32)
    hs1_ref[...] = h * dinv[:, 0:1]


def _tc1_call(x_p, W1, degp):
    return pl.pallas_call(
        _tc1_body,
        grid=(N_PAD // _BM,),
        in_specs=[
            pl.BlockSpec((_BM, D_IN), lambda i: (i, 0)),
            pl.BlockSpec((D_IN, D_MID), lambda i: (0, 0)),
            pl.BlockSpec((NC, _BM, DW), lambda i: (0, i, 0)),
        ],
        out_specs=[
            pl.BlockSpec((_BM, D_MID), lambda i: (i, 0)),
            pl.BlockSpec((_BM, DW), lambda i: (i, 0)),
        ],
        out_shape=[
            jax.ShapeDtypeStruct((N_PAD, D_MID), jnp.float32),
            jax.ShapeDtypeStruct((N_PAD, DW), jnp.float32),
        ],
    )(x_p, W1, degp)


def _tc2_body(s1p_ref, hs1_ref, dinv_ref, b1_ref, hs2_ref):
    dv = dinv_ref[:, 0:1]
    agg = dv * (s1p_ref[0] + s1p_ref[1] + hs1_ref[...]) + b1_ref[...]
    hs2_ref[...] = jnp.maximum(agg, 0.0) * dv


def _tc2_call(s1p, hs1, dinv, b1_row):
    return pl.pallas_call(
        _tc2_body,
        grid=(N_PAD // _BM,),
        in_specs=[
            pl.BlockSpec((NC, _BM, D_MID), lambda i: (0, i, 0)),
            pl.BlockSpec((_BM, D_MID), lambda i: (i, 0)),
            pl.BlockSpec((_BM, DW), lambda i: (i, 0)),
            pl.BlockSpec((1, D_MID), lambda i: (0, 0)),
        ],
        out_specs=pl.BlockSpec((_BM, D_MID), lambda i: (i, 0)),
        out_shape=jax.ShapeDtypeStruct((N_PAD, D_MID), jnp.float32),
    )(s1p, hs1, dinv, b1_row)


def _tc3_body(s2p_ref, hs2_ref, dinv_ref, wcat_ref, bcat_ref, out_ref):
    dv = dinv_ref[:, 0:1]
    g = dv * (s2p_ref[0] + s2p_ref[1] + hs2_ref[...])
    out_ref[...] = (
        jnp.dot(g, wcat_ref[...], preferred_element_type=jnp.float32)
        + bcat_ref[...]
    )


def _tc3_call(s2p, hs2, dinv, wcat, bcat_row):
    return pl.pallas_call(
        _tc3_body,
        grid=(N_PAD // _BM,),
        in_specs=[
            pl.BlockSpec((NC, _BM, D_MID), lambda i: (0, i, 0)),
            pl.BlockSpec((_BM, D_MID), lambda i: (i, 0)),
            pl.BlockSpec((_BM, DW), lambda i: (i, 0)),
            pl.BlockSpec((D_MID, 2 * D_OUT), lambda i: (0, 0)),
            pl.BlockSpec((1, 2 * D_OUT), lambda i: (0, 0)),
        ],
        out_specs=pl.BlockSpec((_BM, 2 * D_OUT), lambda i: (i, 0)),
        out_shape=jax.ShapeDtypeStruct((N_PAD, 2 * D_OUT), jnp.float32),
    )(s2p, hs2, dinv, wcat, bcat_row)


def kernel(x, edge_index, W1, b1, W_mu, b_mu, W_logvar, b_logvar):
    src = edge_index[0]
    dst = edge_index[1]
    pad = jnp.full((E_PAD - E_EDGES,), N_NODES, dtype=jnp.int32)
    srcf = jnp.concatenate([src.astype(jnp.int32), pad]).reshape(EB, BT)
    dstf = jnp.concatenate([dst.astype(jnp.int32), pad]).reshape(EB, BT)
    dstp = dstf.reshape(NC, NS, NB, BT)
    x_p = jnp.pad(x, ((0, N_PAD - N_NODES), (0, 0)))

    ones_deg = jnp.ones((BT, DW), jnp.float32)
    zeros_deg = jnp.zeros((RPT, DW), jnp.float32)
    zeros_agg = jnp.zeros((RPT, D_MID), jnp.float32)

    degp = _deg_call(dstp, ones_deg, zeros_deg)
    hs1, dinv = _tc1_call(x_p, W1, degp)
    s1p = _agg_call(jnp.zeros((N_PAD, 48), jnp.float32), srcf, dstf, zeros_agg)
    hs2 = _tc2_call(s1p, hs1, dinv, b1.reshape(1, D_MID))
    s2p = _agg_call(jnp.zeros((N_PAD, 48), jnp.float32), srcf, dstf, zeros_agg)
    wcat = jnp.concatenate([W_mu, W_logvar], axis=1)
    bcat = jnp.concatenate([b_mu, b_logvar]).reshape(1, 2 * D_OUT)
    out = _tc3_call(s2p, hs2, dinv, wcat, bcat)
    return out[:N_NODES, :D_OUT], out[:N_NODES, D_OUT:]

# --- scband reference (transcript-rebuilt; emitter-appended) ---
"""Pipeline reference for scband-vgaencoder-33131377721458 (READ-ONLY COPY).

The authoritative reference and input builder live on the scoring server;
editing this copy changes nothing except your own understanding.
"""

import jax, jax.numpy as jnp
import numpy as np

N = 10000
E = 320000
D_IN = 128
D_MID = 96
D_OUT = 64


def gcn_conv(x, src, dst, W, b, n):
    # PyG GCNConv: h = x @ W, add self-loops, symmetric normalization, aggregate at dst, add bias
    h = x @ W
    loop = jnp.arange(n, dtype=src.dtype)
    src_f = jnp.concatenate([src, loop])
    dst_f = jnp.concatenate([dst, loop])
    deg = jax.ops.segment_sum(jnp.ones_like(src_f, dtype=h.dtype), dst_f, num_segments=n)
    dinv = jnp.where(deg > 0, jax.lax.rsqrt(deg), 0.0)
    norm = dinv[src_f] * dinv[dst_f]
    msg = h[src_f] * norm[:, None]
    out = jax.ops.segment_sum(msg, dst_f, num_segments=n)
    return out + b


def setup_inputs(seed: int = 0) -> dict:
    key = jax.random.key(seed)
    ks = jax.random.split(key, 9)
    x = jax.random.normal(ks[0], (N, D_IN), dtype=jnp.float32)
    edge_index = jax.random.randint(ks[1], (2, E), 0, N, dtype=jnp.int32)
    W1 = jax.random.normal(ks[2], (D_IN, D_MID), dtype=jnp.float32) * (1.0 / np.sqrt(D_IN))
    b1 = jnp.zeros((D_MID,), dtype=jnp.float32)
    W_mu = jax.random.normal(ks[3], (D_MID, D_OUT), dtype=jnp.float32) * (1.0 / np.sqrt(D_MID))
    b_mu = jnp.zeros((D_OUT,), dtype=jnp.float32)
    W_logvar = jax.random.normal(ks[4], (D_MID, D_OUT), dtype=jnp.float32) * (1.0 / np.sqrt(D_MID))
    b_logvar = jnp.zeros((D_OUT,), dtype=jnp.float32)
    return {"x": x, "edge_index": edge_index, "W1": W1, "b1": b1,
            "W_mu": W_mu, "b_mu": b_mu, "W_logvar": W_logvar, "b_logvar": b_logvar}


def reference(x, edge_index, W1, b1, W_mu, b_mu, W_logvar, b_logvar):
    src = edge_index[0]
    dst = edge_index[1]
    h = gcn_conv(x, src, dst, W1, b1, N)
    # Dropout(p=0.2) evaluated deterministically (identity) for reference comparison
    h = jax.nn.relu(h)
    vgae_mu = gcn_conv(h, src, dst, W_mu, b_mu, N)
    vgae_logvar = gcn_conv(h, src, dst, W_logvar, b_logvar, N)
    return (vgae_mu, vgae_logvar)

if __name__ == "__main__":
    import jax
    _d = setup_inputs()
    print(jax.jit(kernel)(*tuple(_d.values())))

</pallas_src>

<mosaic_0001>
#map = affine_map<(d0, d1) -> (0, 0)>
#map1 = affine_map<(d0, d1) -> (0, 0, 0)>
module attributes {stable_mosaic.version = 14 : i64} {
  func.func @_agg_body(%arg0: i32, %arg1: i32, %arg2: memref<10112x48xf32, #tpu.memory_space<hbm>>, %arg3: memref<2560x128xi32, #tpu.memory_space<hbm>>, %arg4: memref<2560x128xi32, #tpu.memory_space<hbm>>, %arg5: memref<632x96xf32, #tpu.memory_space<hbm>>, %arg6: memref<2x10112x96xf32, #tpu.memory_space<hbm>>, %arg7: memref<120x128xi32, #tpu.memory_space<vmem>>, %arg8: memref<120x128xi32, #tpu.memory_space<vmem>>, %arg9: memref<128x48xf32, #tpu.memory_space<vmem>>, %arg10: memref<128x48xf32, #tpu.memory_space<vmem>>, %arg11: memref<10112x96xf32, #tpu.memory_space<vmem_shared>>, %arg12: memref<!tpu.dma_semaphore, #tpu.memory_space<semaphore_mem>>, %arg13: memref<!tpu.dma_semaphore, #tpu.memory_space<semaphore_mem>>) attributes {dimension_semantics = [#tpu.dimension_semantics<core_parallel>, #tpu.dimension_semantics<subcore_parallel>], iteration_bounds = array<i64: 2, 16>, scalar_prefetch = 0 : i64, scratch_operands = 7 : i64, tpu.core_type = #tpu.core_type<sc_vector_subcore>, window_params = [{transform_indices = #map}, {transform_indices = #map}, {transform_indices = #map}, {transform_indices = #map}, {transform_indices = #map1}]} {
    %eq3A = arith.constant 0 : i32
    %eq3A_0 = arith.cmpi eq, %arg0, %eq3A : i32
    %mul3A = arith.constant 120 : i32
    %mul3A_1 = arith.muli %arg1, %mul3A : i32
    %mul3A_2 = arith.constant 40 : i32
    %mul3A_3 = arith.muli %arg1, %mul3A_2 : i32
    %add3A = arith.constant 1920 : i32
    %add3A_4 = arith.addi %add3A, %mul3A_3 : i32
    %select_n3A = arith.select %eq3A_0, %mul3A_1, %add3A_4 : i32
    %eq3A_5 = arith.constant 0 : i32
    %eq3A_6 = arith.cmpi eq, %arg0, %eq3A_5 : i32
    %jit3A = arith.constant 120 : i32
    %jit3A_7 = arith.constant 40 : i32
    %select_n3A_8 = arith.select %eq3A_6, %jit3A, %jit3A_7 : i32
    "tpu.region"() ({
      %run_scoped3A = tpu.sem_alloc : memref<!tpu.dma_semaphore, #tpu.memory_space<semaphore_mem>>
      %dma_start3A_59 = arith.constant 0 : i32
      %dma_start3A_60 = arith.constant 0 : i32
      %dma_start3A_61 = tpu.memref_slice %arg7[%dma_start3A_59, %dma_start3A_60] : memref<120x128xi32, #tpu.memory_space<vmem>> -> memref<40x128xi32, #tpu.memory_space<vmem>>
      %dma_start3A_62 = arith.constant 0 : i32
      %dma_start3A_63 = tpu.memref_slice %arg3[%select_n3A, %dma_start3A_62] : memref<2560x128xi32, #tpu.memory_space<hbm>> -> memref<40x128xi32, #tpu.memory_space<hbm>>
      %dma_start3A_64 = arith.constant 0 : i32
      %dma_start3A_65 = arith.constant 0 : i32
      %dma_start3A_66 = tpu.memref_slice %arg7[%dma_start3A_64, %dma_start3A_65] : memref<120x128xi32, #tpu.memory_space<vmem>> -> memref<40x128xi32, #tpu.memory_space<vmem>>
      %dma_start3A_67 = arith.constant 0 : i32
      %dma_start3A_68 = tpu.memref_slice %arg3[%select_n3A, %dma_start3A_67] : memref<2560x128xi32, #tpu.memory_space<hbm>> -> memref<40x128xi32, #tpu.memory_space<hbm>>
      tpu.enqueue_dma source(%dma_start3A_68 : memref<40x128xi32, #tpu.memory_space<hbm>>) target(%dma_start3A_66 : memref<40x128xi32, #tpu.memory_space<vmem>>) target_semaphore(%run_scoped3A : memref<!tpu.dma_semaphore, #tpu.memory_space<semaphore_mem>>)
      %dma_wait3A = arith.constant 0 : i32
      %dma_wait3A_69 = arith.constant 0 : i32
      %dma_wait3A_70 = tpu.memref_slice %arg7[%dma_wait3A, %dma_wait3A_69] : memref<120x128xi32, #tpu.memory_space<vmem>> -> memref<40x128xi32, #tpu.memory_space<vmem>>
      %dma_wait3A_71 = arith.constant 0 : i32
      %dma_wait3A_72 = tpu.memref_slice %arg3[%select_n3A, %dma_wait3A_71] : memref<2560x128xi32, #tpu.memory_space<hbm>> -> memref<40x128xi32, #tpu.memory_space<hbm>>
      %dma_wait3A_73 = arith.constant 0 : i32
      %dma_wait3A_74 = arith.constant 0 : i32
      %dma_wait3A_75 = tpu.memref_slice %arg7[%dma_wait3A_73, %dma_wait3A_74] : memref<120x128xi32, #tpu.memory_space<vmem>> -> memref<40x128xi32, #tpu.memory_space<vmem>>
      %dma_wait3A_76 = arith.constant 0 : i32
      %dma_wait3A_77 = tpu.memref_slice %arg3[%select_n3A, %dma_wait3A_76] : memref<2560x128xi32, #tpu.memory_space<hbm>> -> memref<40x128xi32, #tpu.memory_space<hbm>>
      tpu.wait_dma2 semaphore(%run_scoped3A : memref<!tpu.dma_semaphore, #tpu.memory_space<semaphore_mem>>) src(%dma_wait3A_77 : memref<40x128xi32, #tpu.memory_space<hbm>>) dst(%dma_wait3A_75 : memref<40x128xi32, #tpu.memory_space<vmem>>)
      tpu.yield
    }) : () -> ()
    "tpu.region"() ({
      %run_scoped3A = tpu.sem_alloc : memref<!tpu.dma_semaphore, #tpu.memory_space<semaphore_mem>>
      %dma_start3A_59 = arith.constant 0 : i32
      %dma_start3A_60 = arith.constant 0 : i32
      %dma_start3A_61 = tpu.memref_slice %arg8[%dma_start3A_59, %dma_start3A_60] : memref<120x128xi32, #tpu.memory_space<vmem>> -> memref<40x128xi32, #tpu.memory_space<vmem>>
      %dma_start3A_62 = arith.constant 0 : i32
      %dma_start3A_63 = tpu.memref_slice %arg4[%select_n3A, %dma_start3A_62] : memref<2560x128xi32, #tpu.memory_space<hbm>> -> memref<40x128xi32, #tpu.memory_space<hbm>>
      %dma_start3A_64 = arith.constant 0 : i32
      %dma_start3A_65 = arith.constant 0 : i32
      %dma_start3A_66 = tpu.memref_slice %arg8[%dma_start3A_64, %dma_start3A_65] : memref<120x128xi32, #tpu.memory_space<vmem>> -> memref<40x128xi32, #tpu.memory_space<vmem>>
      %dma_start3A_67 = arith.constant 0 : i32
      %dma_start3A_68 = tpu.memref_slice %arg4[%select_n3A, %dma_start3A_67] : memref<2560x128xi32, #tpu.memory_space<hbm>> -> memref<40x128xi32, #tpu.memory_space<hbm>>
      tpu.enqueue_dma source(%dma_start3A_68 : memref<40x128xi32, #tpu.memory_space<hbm>>) target(%dma_start3A_66 : memref<40x128xi32, #tpu.memory_space<vmem>>) target_semaphore(%run_scoped3A : memref<!tpu.dma_semaphore, #tpu.memory_space<semaphore_mem>>)
      %dma_wait3A = arith.constant 0 : i32
      %dma_wait3A_69 = arith.constant 0 : i32
      %dma_wait3A_70 = tpu.memref_slice %arg8[%dma_wait3A, %dma_wait3A_69] : memref<120x128xi32, #tpu.memory_space<vmem>> -> memref<40x128xi32, #tpu.memory_space<vmem>>
      %dma_wait3A_71 = arith.constant 0 : i32
      %dma_wait3A_72 = tpu.memref_slice %arg4[%select_n3A, %dma_wait3A_71] : memref<2560x128xi32, #tpu.memory_space<hbm>> -> memref<40x128xi32, #tpu.memory_space<hbm>>
      %dma_wait3A_73 = arith.constant 0 : i32
      %dma_wait3A_74 = arith.constant 0 : i32
      %dma_wait3A_75 = tpu.memref_slice %arg8[%dma_wait3A_73, %dma_wait3A_74] : memref<120x128xi32, #tpu.memory_space<vmem>> -> memref<40x128xi32, #tpu.memory_space<vmem>>
      %dma_wait3A_76 = arith.constant 0 : i32
      %dma_wait3A_77 = tpu.memref_slice %arg4[%select_n3A, %dma_wait3A_76] : memref<2560x128xi32, #tpu.memory_space<hbm>> -> memref<40x128xi32, #tpu.memory_space<hbm>>
      tpu.wait_dma2 semaphore(%run_scoped3A : memref<!tpu.dma_semaphore, #tpu.memory_space<semaphore_mem>>) src(%dma_wait3A_77 : memref<40x128xi32, #tpu.memory_space<hbm>>) dst(%dma_wait3A_75 : memref<40x128xi32, #tpu.memory_space<vmem>>)
      tpu.yield
    }) : () -> ()
    %eq3A_9 = arith.constant 0 : i32
    %eq3A_10 = arith.cmpi eq, %arg0, %eq3A_9 : i32
    %convert_element_type3A = arith.extui %eq3A_10 : i1 to i32
    %cond3A = arith.constant 0 : i32
    %cond3A_11 = arith.cmpi ne, %convert_element_type3A, %cond3A : i32
    scf.if %cond3A_11 {
      %add3A_59 = arith.constant 40 : i32
      %add3A_60 = arith.addi %select_n3A, %add3A_59 : i32
      "tpu.region"() ({
        %run_scoped3A = tpu.sem_alloc : memref<!tpu.dma_semaphore, #tpu.memory_space<semaphore_mem>>
        %dma_start3A_63 = arith.constant 40 : i32
        %dma_start3A_64 = arith.constant 0 : i32
        %dma_start3A_65 = tpu.memref_slice %arg7[%dma_start3A_63, %dma_start3A_64] : memref<120x128xi32, #tpu.memory_space<vmem>> -> memref<80x128xi32, #tpu.memory_space<vmem>>
        %dma_start3A_66 = arith.constant 0 : i32
        %dma_start3A_67 = tpu.memref_slice %arg3[%add3A_60, %dma_start3A_66] : memref<2560x128xi32, #tpu.memory_space<hbm>> -> memref<80x128xi32, #tpu.memory_space<hbm>>
        %dma_start3A_68 = arith.constant 40 : i32
        %dma_start3A_69 = arith.constant 0 : i32
        %dma_start3A_70 = tpu.memref_slice %arg7[%dma_start3A_68, %dma_start3A_69] : memref<120x128xi32, #tpu.memory_space<vmem>> -> memref<80x128xi32, #tpu.memory_space<vmem>>
        %dma_start3A_71 = arith.constant 0 : i32
        %dma_start3A_72 = tpu.memref_slice %arg3[%add3A_60, %dma_start3A_71] : memref<2560x128xi32, #tpu.memory_space<hbm>> -> memref<80x128xi32, #tpu.memory_space<hbm>>
        tpu.enqueue_dma source(%dma_start3A_72 : memref<80x128xi32, #tpu.memory_space<hbm>>) target(%dma_start3A_70 : memref<80x128xi32, #tpu.memory_space<vmem>>) target_semaphore(%run_scoped3A : memref<!tpu.dma_semaphore, #tpu.memory_space<semaphore_mem>>)
        %dma_wait3A = arith.constant 40 : i32
        %dma_wait3A_73 = arith.constant 0 : i32
        %dma_wait3A_74 = tpu.memref_slice %arg7[%dma_wait3A, %dma_wait3A_73] : memref<120x128xi32, #tpu.memory_space<vmem>> -> memref<80x128xi32, #tpu.memory_space<vmem>>
        %dma_wait3A_75 = arith.constant 0 : i32
        %dma_wait3A_76 = tpu.memref_slice %arg3[%add3A_60, %dma_wait3A_75] : memref<2560x128xi32, #tpu.memory_space<hbm>> -> memref<80x128xi32, #tpu.memory_space<hbm>>
        %dma_wait3A_77 = arith.constant 40 : i32
        %dma_wait3A_78 = arith.constant 0 : i32
        %dma_wait3A_79 = tpu.memref_slice %arg7[%dma_wait3A_77, %dma_wait3A_78] : memref<120x128xi32, #tpu.memory_space<vmem>> -> memref<80x128xi32, #tpu.memory_space<vmem>>
        %dma_wait3A_80 = arith.constant 0 : i32
        %dma_wait3A_81 = tpu.memref_slice %arg3[%add3A_60, %dma_wait3A_80] : memref<2560x128xi32, #tpu.memory_space<hbm>> -> memref<80x128xi32, #tpu.memory_space<hbm>>
        tpu.wait_dma2 semaphore(%run_scoped3A : memref<!tpu.dma_semaphore, #tpu.memory_space<semaphore_mem>>) src(%dma_wait3A_81 : memref<80x128xi32, #tpu.memory_space<hbm>>) dst(%dma_wait3A_79 : memref<80x128xi32, #tpu.memory_space<vmem>>)
        tpu.yield
      }) : () -> ()
      %add3A_61 = arith.constant 40 : i32
      %add3A_62 = arith.addi %select_n3A, %add3A_61 : i32
      "tpu.region"() ({
        %run_scoped3A = tpu.sem_alloc : memref<!tpu.dma_semaphore, #tpu.memory_space<semaphore_mem>>
        %dma_start3A_63 = arith.constant 40 : i32
        %dma_start3A_64 = arith.constant 0 : i32
        %dma_start3A_65 = tpu.memref_slice %arg8[%dma_start3A_63, %dma_start3A_64] : memref<120x128xi32, #tpu.memory_space<vmem>> -> memref<80x128xi32, #tpu.memory_space<vmem>>
        %dma_start3A_66 = arith.constant 0 : i32
        %dma_start3A_67 = tpu.memref_slice %arg4[%add3A_62, %dma_start3A_66] : memref<2560x128xi32, #tpu.memory_space<hbm>> -> memref<80x128xi32, #tpu.memory_space<hbm>>
        %dma_start3A_68 = arith.constant 40 : i32
        %dma_start3A_69 = arith.constant 0 : i32
        %dma_start3A_70 = tpu.memref_slice %arg8[%dma_start3A_68, %dma_start3A_69] : memref<120x128xi32, #tpu.memory_space<vmem>> -> memref<80x128xi32, #tpu.memory_space<vmem>>
        %dma_start3A_71 = arith.constant 0 : i32
        %dma_start3A_72 = tpu.memref_slice %arg4[%add3A_62, %dma_start3A_71] : memref<2560x128xi32, #tpu.memory_space<hbm>> -> memref<80x128xi32, #tpu.memory_space<hbm>>
        tpu.enqueue_dma source(%dma_start3A_72 : memref<80x128xi32, #tpu.memory_space<hbm>>) target(%dma_start3A_70 : memref<80x128xi32, #tpu.memory_space<vmem>>) target_semaphore(%run_scoped3A : memref<!tpu.dma_semaphore, #tpu.memory_space<semaphore_mem>>)
        %dma_wait3A = arith.constant 40 : i32
        %dma_wait3A_73 = arith.constant 0 : i32
        %dma_wait3A_74 = tpu.memref_slice %arg8[%dma_wait3A, %dma_wait3A_73] : memref<120x128xi32, #tpu.memory_space<vmem>> -> memref<80x128xi32, #tpu.memory_space<vmem>>
        %dma_wait3A_75 = arith.constant 0 : i32
        %dma_wait3A_76 = tpu.memref_slice %arg4[%add3A_62, %dma_wait3A_75] : memref<2560x128xi32, #tpu.memory_space<hbm>> -> memref<80x128xi32, #tpu.memory_space<hbm>>
        %dma_wait3A_77 = arith.constant 40 : i32
        %dma_wait3A_78 = arith.constant 0 : i32
        %dma_wait3A_79 = tpu.memref_slice %arg8[%dma_wait3A_77, %dma_wait3A_78] : memref<120x128xi32, #tpu.memory_space<vmem>> -> memref<80x128xi32, #tpu.memory_space<vmem>>
        %dma_wait3A_80 = arith.constant 0 : i32
        %dma_wait3A_81 = tpu.memref_slice %arg4[%add3A_62, %dma_wait3A_80] : memref<2560x128xi32, #tpu.memory_space<hbm>> -> memref<80x128xi32, #tpu.memory_space<hbm>>
        tpu.wait_dma2 semaphore(%run_scoped3A : memref<!tpu.dma_semaphore, #tpu.memory_space<semaphore_mem>>) src(%dma_wait3A_81 : memref<80x128xi32, #tpu.memory_space<hbm>>) dst(%dma_wait3A_79 : memref<80x128xi32, #tpu.memory_space<vmem>>)
        tpu.yield
      }) : () -> ()
    } else {
    }
    %mul3A_12 = arith.constant 632 : i32
    %mul3A_13 = arith.muli %arg1, %mul3A_12 : i32
    "tpu.region"() ({
      %run_scoped3A = tpu.sem_alloc : memref<!tpu.dma_semaphore, #tpu.memory_space<semaphore_mem>>
      %dma_start3A_59 = arith.constant 0 : i32
      %dma_start3A_60 = tpu.memref_slice %arg11[%mul3A_13, %dma_start3A_59] : memref<10112x96xf32, #tpu.memory_space<vmem_shared>> -> memref<632x96xf32, #tpu.memory_space<vmem_shared>>
      tpu.enqueue_dma source(%arg5 : memref<632x96xf32, #tpu.memory_space<hbm>>) target(%dma_start3A_60 : memref<632x96xf32, #tpu.memory_space<vmem_shared>>) target_semaphore(%run_scoped3A : memref<!tpu.dma_semaphore, #tpu.memory_space<semaphore_mem>>)
      %dma_wait3A = arith.constant 0 : i32
      %dma_wait3A_61 = tpu.memref_slice %arg11[%mul3A_13, %dma_wait3A] : memref<10112x96xf32, #tpu.memory_space<vmem_shared>> -> memref<632x96xf32, #tpu.memory_space<vmem_shared>>
      tpu.wait_dma2 semaphore(%run_scoped3A : memref<!tpu.dma_semaphore, #tpu.memory_space<semaphore_mem>>) src(%arg5 : memref<632x96xf32, #tpu.memory_space<hbm>>) dst(%dma_wait3A_61 : memref<632x96xf32, #tpu.memory_space<vmem_shared>>)
      tpu.yield
    }) : () -> ()
    %barrier3A = arith.constant 0 : index
    tpu.barrier barrier_id(%barrier3A)
    %dma_start3A = arith.constant 0 : i32
    %dma_start3A_14 = arith.constant 0 : i32
    %dma_start3A_15 = tpu.memref_slice %arg7[%dma_start3A, %dma_start3A_14] : memref<120x128xi32, #tpu.memory_space<vmem>> -> memref<1x128xi32, #tpu.memory_space<vmem>>
    %dma_start3A_16 = tpu.memref_squeeze %dma_start3A_15 : memref<1x128xi32, #tpu.memory_space<vmem>> -> memref<128xi32, #tpu.memory_space<vmem>>
    %dma_start3A_17 = arith.constant 0 : i32
    %dma_start3A_18 = arith.constant 0 : i32
    %dma_start3A_19 = tpu.memref_slice %arg2[%dma_start3A_17, %dma_start3A_18] : memref<10112x48xf32, #tpu.memory_space<hbm>> -> memref<10112x48xf32, #tpu.memory_space<hbm>>
    tpu.enqueue_indirect_dma source(%dma_start3A_19 : memref<10112x48xf32, #tpu.memory_space<hbm>>) target(%arg9 : memref<128x48xf32, #tpu.memory_space<vmem>>) offsets(%dma_start3A_16 : memref<128xi32, #tpu.memory_space<vmem>>) semaphore(%arg12 : memref<!tpu.dma_semaphore, #tpu.memory_space<semaphore_mem>>)
    %dma_start3A_20 = arith.constant 1 : i32
    %dma_start3A_21 = arith.constant 0 : i32
    %dma_start3A_22 = tpu.memref_slice %arg7[%dma_start3A_20, %dma_start3A_21] : memref<120x128xi32, #tpu.memory_space<vmem>> -> memref<1x128xi32, #tpu.memory_space<vmem>>
    %dma_start3A_23 = tpu.memref_squeeze %dma_start3A_22 : memref<1x128xi32, #tpu.memory_space<vmem>> -> memref<128xi32, #tpu.memory_space<vmem>>
    %dma_start3A_24 = arith.constant 0 : i32
    %dma_start3A_25 = arith.constant 0 : i32
    %dma_start3A_26 = tpu.memref_slice %arg2[%dma_start3A_24, %dma_start3A_25] : memref<10112x48xf32, #tpu.memory_space<hbm>> -> memref<10112x48xf32, #tpu.memory_space<hbm>>
    tpu.enqueue_indirect_dma source(%dma_start3A_26 : memref<10112x48xf32, #tpu.memory_space<hbm>>) target(%arg10 : memref<128x48xf32, #tpu.memory_space<vmem>>) offsets(%dma_start3A_23 : memref<128xi32, #tpu.memory_space<vmem>>) semaphore(%arg13 : memref<!tpu.dma_semaphore, #tpu.memory_space<semaphore_mem>>)
    %jit3A_27 = arith.constant 2 : i32
    %div3A = arith.divsi %select_n3A_8, %jit3A_27 : i32
    %sign3A = arith.constant 0 : i32
    %sign3A_28 = arith.cmpi sgt, %select_n3A_8, %sign3A : i32
    %sign3A_29 = arith.extui %sign3A_28 : i1 to i32
    %sign3A_30 = arith.constant 0 : i32
    %sign3A_31 = arith.cmpi slt, %select_n3A_8, %sign3A_30 : i32
    %sign3A_32 = arith.extui %sign3A_31 : i1 to i32
    %sign3A_33 = arith.subi %sign3A_29, %sign3A_32 : i32
    %sign3A_34 = arith.constant 0 : i32
    %sign3A_35 = arith.cmpi sgt, %jit3A_27, %sign3A_34 : i32
    %sign3A_36 = arith.extui %sign3A_35 : i1 to i32
    %sign3A_37 = arith.constant 0 : i32
    %sign3A_38 = arith.cmpi slt, %jit3A_27, %sign3A_37 : i32
    %sign3A_39 = arith.extui %sign3A_38 : i1 to i32
    %sign3A_40 = arith.subi %sign3A_36, %sign3A_39 : i32
    %ne3A = arith.cmpi ne, %sign3A_33, %sign3A_40 : i32
    %rem3A = arith.remsi %select_n3A_8, %jit3A_27 : i32
    %ne3A_41 = arith.constant 0 : i32
    %ne3A_42 = arith.cmpi ne, %rem3A, %ne3A_41 : i32
    %and3A = arith.andi %ne3A, %ne3A_42 : i1
    %sub3A = arith.constant 1 : i32
    %sub3A_43 = arith.subi %div3A, %sub3A : i32
    %select_n3A_44 = arith.select %and3A, %sub3A_43, %div3A : i32
    %while3A = arith.constant 0 : i32
    %while3A_45 = arith.constant 0 : i32
    %while3A_46 = arith.subi %select_n3A_44, %while3A_45 : i32
    %while3A_47 = arith.addi %while3A_45, %while3A_46 : i32
    %while3A_48 = arith.constant 1 : i32
    %while3A_49 = arith.divsi %while3A_46, %while3A_48 : i32
    %while3A_50 = arith.muli %while3A_49, %while3A_48 : i32
    %while3A_51 = arith.addi %while3A_45, %while3A_50 : i32
    %while3A_52 = arith.constant 1 : i32
    scf.for %while3A_59 = %while3A_45 to %while3A_51 step %while3A_52  : i32 {
      %mul3A_60 = arith.constant 2 : i32
      %mul3A_61 = arith.muli %while3A_59, %mul3A_60 : i32
      %add3A_62 = arith.constant 0 : i32
      %add3A_63 = arith.addi %mul3A_61, %add3A_62 : i32
      %dma_wait3A = arith.constant 0 : i32
      %dma_wait3A_64 = tpu.memref_slice %arg7[%add3A_63, %dma_wait3A] : memref<120x128xi32, #tpu.memory_space<vmem>> -> memref<1x128xi32, #tpu.memory_space<vmem>>
      %dma_wait3A_65 = tpu.memref_squeeze %dma_wait3A_64 : memref<1x128xi32, #tpu.memory_space<vmem>> -> memref<128xi32, #tpu.memory_space<vmem>>
      %dma_wait3A_66 = arith.constant 0 : i32
      %dma_wait3A_67 = arith.constant 0 : i32
      %dma_wait3A_68 = tpu.memref_slice %arg2[%dma_wait3A_66, %dma_wait3A_67] : memref<10112x48xf32, #tpu.memory_space<hbm>> -> memref<10112x48xf32, #tpu.memory_space<hbm>>
      tpu.wait_indirect_dma semaphore(%arg12 : memref<!tpu.dma_semaphore, #tpu.memory_space<semaphore_mem>>) src(%dma_wait3A_68 : memref<10112x48xf32, #tpu.memory_space<hbm>>) dst(%arg9 : memref<128x48xf32, #tpu.memory_space<vmem>>)
      %add3A_69 = arith.constant 2 : i32
      %add3A_70 = arith.addi %add3A_63, %add3A_69 : i32
      %lt3A = arith.cmpi slt, %add3A_70, %select_n3A_8 : i32
      %convert_element_type3A_71 = arith.extui %lt3A : i1 to i32
      %cond3A_72 = arith.constant 0 : i32
      %cond3A_73 = arith.cmpi ne, %convert_element_type3A_71, %cond3A_72 : i32
      scf.if %cond3A_73 {
        %add3A_88 = arith.constant 2 : i32
        %add3A_89 = arith.addi %add3A_63, %add3A_88 : i32
        %dma_start3A_90 = arith.constant 0 : i32
        %dma_start3A_91 = tpu.memref_slice %arg7[%add3A_89, %dma_start3A_90] : memref<120x128xi32, #tpu.memory_space<vmem>> -> memref<1x128xi32, #tpu.memory_space<vmem>>
        %dma_start3A_92 = tpu.memref_squeeze %dma_start3A_91 : memref<1x128xi32, #tpu.memory_space<vmem>> -> memref<128xi32, #tpu.memory_space<vmem>>
        %dma_start3A_93 = arith.constant 0 : i32
        %dma_start3A_94 = arith.constant 0 : i32
        %dma_start3A_95 = tpu.memref_slice %arg2[%dma_start3A_93, %dma_start3A_94] : memref<10112x48xf32, #tpu.memory_space<hbm>> -> memref<10112x48xf32, #tpu.memory_space<hbm>>
        tpu.enqueue_indirect_dma source(%dma_start3A_95 : memref<10112x48xf32, #tpu.memory_space<hbm>>) target(%arg9 : memref<128x48xf32, #tpu.memory_space<vmem>>) offsets(%dma_start3A_92 : memref<128xi32, #tpu.memory_space<vmem>>) semaphore(%arg12 : memref<!tpu.dma_semaphore, #tpu.memory_space<semaphore_mem>>)
      } else {
      }
      %add3A_74 = arith.constant 1 : i32
      %add3A_75 = arith.addi %mul3A_61, %add3A_74 : i32
      %dma_wait3A_76 = arith.constant 0 : i32
      %dma_wait3A_77 = tpu.memref_slice %arg7[%add3A_75, %dma_wait3A_76] : memref<120x128xi32, #tpu.memory_space<vmem>> -> memref<1x128xi32, #tpu.memory_space<vmem>>
      %dma_wait3A_78 = tpu.memref_squeeze %dma_wait3A_77 : memref<1x128xi32, #tpu.memory_space<vmem>> -> memref<128xi32, #tpu.memory_space<vmem>>
      %dma_wait3A_79 = arith.constant 0 : i32
      %dma_wait3A_80 = arith.constant 0 : i32
      %dma_wait3A_81 = tpu.memref_slice %arg2[%dma_wait3A_79, %dma_wait3A_80] : memref<10112x48xf32, #tpu.memory_space<hbm>> -> memref<10112x48xf32, #tpu.memory_space<hbm>>
      tpu.wait_indirect_dma semaphore(%arg13 : memref<!tpu.dma_semaphore, #tpu.memory_space<semaphore_mem>>) src(%dma_wait3A_81 : memref<10112x48xf32, #tpu.memory_space<hbm>>) dst(%arg10 : memref<128x48xf32, #tpu.memory_space<vmem>>)
      %add3A_82 = arith.constant 2 : i32
      %add3A_83 = arith.addi %add3A_75, %add3A_82 : i32
      %lt3A_84 = arith.cmpi slt, %add3A_83, %select_n3A_8 : i32
      %convert_element_type3A_85 = arith.extui %lt3A_84 : i1 to i32
      %cond3A_86 = arith.constant 0 : i32
      %cond3A_87 = arith.cmpi ne, %convert_element_type3A_85, %cond3A_86 : i32
      scf.if %cond3A_87 {
        %add3A_88 = arith.constant 2 : i32
        %add3A_89 = arith.addi %add3A_75, %add3A_88 : i32
        %dma_start3A_90 = arith.constant 0 : i32
        %dma_start3A_91 = tpu.memref_slice %arg7[%add3A_89, %dma_start3A_90] : memref<120x128xi32, #tpu.memory_space<vmem>> -> memref<1x128xi32, #tpu.memory_space<vmem>>
        %dma_start3A_92 = tpu.memref_squeeze %dma_start3A_91 : memref<1x128xi32, #tpu.memory_space<vmem>> -> memref<128xi32, #tpu.memory_space<vmem>>
        %dma_start3A_93 = arith.constant 0 : i32
        %dma_start3A_94 = arith.constant 0 : i32
        %dma_start3A_95 = tpu.memref_slice %arg2[%dma_start3A_93, %dma_start3A_94] : memref<10112x48xf32, #tpu.memory_space<hbm>> -> memref<10112x48xf32, #tpu.memory_space<hbm>>
        tpu.enqueue_indirect_dma source(%dma_start3A_95 : memref<10112x48xf32, #tpu.memory_space<hbm>>) target(%arg10 : memref<128x48xf32, #tpu.memory_space<vmem>>) offsets(%dma_start3A_92 : memref<128xi32, #tpu.memory_space<vmem>>) semaphore(%arg13 : memref<!tpu.dma_semaphore, #tpu.memory_space<semaphore_mem>>)
      } else {
      }
    }
    %while3A_53 = arith.constant 1 : i32
    scf.for %while3A_59 = %while3A_51 to %while3A_47 step %while3A_53  : i32 {
      %mul3A_60 = arith.constant 2 : i32
      %mul3A_61 = arith.muli %while3A_59, %mul3A_60 : i32
      %add3A_62 = arith.constant 0 : i32
      %add3A_63 = arith.addi %mul3A_61, %add3A_62 : i32
      %dma_wait3A = arith.constant 0 : i32
      %dma_wait3A_64 = tpu.memref_slice %arg7[%add3A_63, %dma_wait3A] : memref<120x128xi32, #tpu.memory_space<vmem>> -> memref<1x128xi32, #tpu.memory_space<vmem>>
      %dma_wait3A_65 = tpu.memref_squeeze %dma_wait3A_64 : memref<1x128xi32, #tpu.memory_space<vmem>> -> memref<128xi32, #tpu.memory_space<vmem>>
      %dma_wait3A_66 = arith.constant 0 : i32
      %dma_wait3A_67 = arith.constant 0 : i32
      %dma_wait3A_68 = tpu.memref_slice %arg2[%dma_wait3A_66, %dma_wait3A_67] : memref<10112x48xf32, #tpu.memory_space<hbm>> -> memref<10112x48xf32, #tpu.memory_space<hbm>>
      tpu.wait_indirect_dma semaphore(%arg12 : memref<!tpu.dma_semaphore, #tpu.memory_space<semaphore_mem>>) src(%dma_wait3A_68 : memref<10112x48xf32, #tpu.memory_space<hbm>>) dst(%arg9 : memref<128x48xf32, #tpu.memory_space<vmem>>)
      %add3A_69 = arith.constant 2 : i32
      %add3A_70 = arith.addi %add3A_63, %add3A_69 : i32
      %lt3A = arith.cmpi slt, %add3A_70, %select_n3A_8 : i32
      %convert_element_type3A_71 = arith.extui %lt3A : i1 to i32
      %cond3A_72 = arith.constant 0 : i32
      %cond3A_73 = arith.cmpi ne, %convert_element_type3A_71, %cond3A_72 : i32
      scf.if %cond3A_73 {
        %add3A_88 = arith.constant 2 : i32
        %add3A_89 = arith.addi %add3A_63, %add3A_88 : i32
        %dma_start3A_90 = arith.constant 0 : i32
        %dma_start3A_91 = tpu.memref_slice %arg7[%add3A_89, %dma_start3A_90] : memref<120x128xi32, #tpu.memory_space<vmem>> -> memref<1x128xi32, #tpu.memory_space<vmem>>
        %dma_start3A_92 = tpu.memref_squeeze %dma_start3A_91 : memref<1x128xi32, #tpu.memory_space<vmem>> -> memref<128xi32, #tpu.memory_space<vmem>>
        %dma_start3A_93 = arith.constant 0 : i32
        %dma_start3A_94 = arith.constant 0 : i32
        %dma_start3A_95 = tpu.memref_slice %arg2[%dma_start3A_93, %dma_start3A_94] : memref<10112x48xf32, #tpu.memory_space<hbm>> -> memref<10112x48xf32, #tpu.memory_space<hbm>>
        tpu.enqueue_indirect_dma source(%dma_start3A_95 : memref<10112x48xf32, #tpu.memory_space<hbm>>) target(%arg9 : memref<128x48xf32, #tpu.memory_space<vmem>>) offsets(%dma_start3A_92 : memref<128xi32, #tpu.memory_space<vmem>>) semaphore(%arg12 : memref<!tpu.dma_semaphore, #tpu.memory_space<semaphore_mem>>)
      } else {
      }
      %add3A_74 = arith.constant 1 : i32
      %add3A_75 = arith.addi %mul3A_61, %add3A_74 : i32
      %dma_wait3A_76 = arith.constant 0 : i32
      %dma_wait3A_77 = tpu.memref_slice %arg7[%add3A_75, %dma_wait3A_76] : memref<120x128xi32, #tpu.memory_space<vmem>> -> memref<1x128xi32, #tpu.memory_space<vmem>>
      %dma_wait3A_78 = tpu.memref_squeeze %dma_wait3A_77 : memref<1x128xi32, #tpu.memory_space<vmem>> -> memref<128xi32, #tpu.memory_space<vmem>>
      %dma_wait3A_79 = arith.constant 0 : i32
      %dma_wait3A_80 = arith.constant 0 : i32
      %dma_wait3A_81 = tpu.memref_slice %arg2[%dma_wait3A_79, %dma_wait3A_80] : memref<10112x48xf32, #tpu.memory_space<hbm>> -> memref<10112x48xf32, #tpu.memory_space<hbm>>
      tpu.wait_indirect_dma semaphore(%arg13 : memref<!tpu.dma_semaphore, #tpu.memory_space<semaphore_mem>>) src(%dma_wait3A_81 : memref<10112x48xf32, #tpu.memory_space<hbm>>) dst(%arg10 : memref<128x48xf32, #tpu.memory_space<vmem>>)
      %add3A_82 = arith.constant 2 : i32
      %add3A_83 = arith.addi %add3A_75, %add3A_82 : i32
      %lt3A_84 = arith.cmpi slt, %add3A_83, %select_n3A_8 : i32
      %convert_element_type3A_85 = arith.extui %lt3A_84 : i1 to i32
      %cond3A_86 = arith.constant 0 : i32
      %cond3A_87 = arith.cmpi ne, %convert_element_type3A_85, %cond3A_86 : i32
      scf.if %cond3A_87 {
        %add3A_88 = arith.constant 2 : i32
        %add3A_89 = arith.addi %add3A_75, %add3A_88 : i32
        %dma_start3A_90 = arith.constant 0 : i32
        %dma_start3A_91 = tpu.memref_slice %arg7[%add3A_89, %dma_start3A_90] : memref<120x128xi32, #tpu.memory_space<vmem>> -> memref<1x128xi32, #tpu.memory_space<vmem>>
        %dma_start3A_92 = tpu.memref_squeeze %dma_start3A_91 : memref<1x128xi32, #tpu.memory_space<vmem>> -> memref<128xi32, #tpu.memory_space<vmem>>
        %dma_start3A_93 = arith.constant 0 : i32
        %dma_start3A_94 = arith.constant 0 : i32
        %dma_start3A_95 = tpu.memref_slice %arg2[%dma_start3A_93, %dma_start3A_94] : memref<10112x48xf32, #tpu.memory_space<hbm>> -> memref<10112x48xf32, #tpu.memory_space<hbm>>
        tpu.enqueue_indirect_dma source(%dma_start3A_95 : memref<10112x48xf32, #tpu.memory_space<hbm>>) target(%arg10 : memref<128x48xf32, #tpu.memory_space<vmem>>) offsets(%dma_start3A_92 : memref<128xi32, #tpu.memory_space<vmem>>) semaphore(%arg13 : memref<!tpu.dma_semaphore, #tpu.memory_space<semaphore_mem>>)
      } else {
      }
    }
    %barrier3A_54 = arith.constant 0 : index
    tpu.barrier barrier_id(%barrier3A_54)
    %mul3A_55 = arith.constant 632 : i32
    %mul3A_56 = arith.muli %arg1, %mul3A_55 : i32
    %mul3A_57 = arith.constant 632 : i32
    %mul3A_58 = arith.muli %arg1, %mul3A_57 : i32
    "tpu.region"() ({
      %run_scoped3A = tpu.sem_alloc : memref<!tpu.dma_semaphore, #tpu.memory_space<semaphore_mem>>
      %dma_start3A_59 = arith.constant 0 : i32
      %dma_start3A_60 = tpu.memref_slice %arg6[%arg0, %mul3A_58, %dma_start3A_59] : memref<2x10112x96xf32, #tpu.memory_space<hbm>> -> memref<1x632x96xf32, #tpu.memory_space<hbm>>
      %dma_start3A_61 = tpu.memref_squeeze %dma_start3A_60 : memref<1x632x96xf32, #tpu.memory_space<hbm>> -> memref<632x96xf32, #tpu.memory_space<hbm>>
      %dma_start3A_62 = arith.constant 0 : i32
      %dma_start3A_63 = tpu.memref_slice %arg11[%mul3A_56, %dma_start3A_62] : memref<10112x96xf32, #tpu.memory_space<vmem_shared>> -> memref<632x96xf32, #tpu.memory_space<vmem_shared>>
      tpu.enqueue_dma source(%dma_start3A_63 : memref<632x96xf32, #tpu.memory_space<vmem_shared>>) target(%dma_start3A_61 : memref<632x96xf32, #tpu.memory_space<hbm>>) target_semaphore(%run_scoped3A : memref<!tpu.dma_semaphore, #tpu.memory_space<semaphore_mem>>)
      %dma_wait3A = arith.constant 0 : i32
      %dma_wait3A_64 = tpu.memref_slice %arg6[%arg0, %mul3A_58, %dma_wait3A] : memref<2x10112x96xf32, #tpu.memory_space<hbm>> -> memref<1x632x96xf32, #tpu.memory_space<hbm>>
      %dma_wait3A_65 = tpu.memref_squeeze %dma_wait3A_64 : memref<1x632x96xf32, #tpu.memory_space<hbm>> -> memref<632x96xf32, #tpu.memory_space<hbm>>
      %dma_wait3A_66 = arith.constant 0 : i32
      %dma_wait3A_67 = tpu.memref_slice %arg11[%mul3A_56, %dma_wait3A_66] : memref<10112x96xf32, #tpu.memory_space<vmem_shared>> -> memref<632x96xf32, #tpu.memory_space<vmem_shared>>
      tpu.wait_dma2 semaphore(%run_scoped3A : memref<!tpu.dma_semaphore, #tpu.memory_space<semaphore_mem>>) src(%dma_wait3A_67 : memref<632x96xf32, #tpu.memory_space<vmem_shared>>) dst(%dma_wait3A_65 : memref<632x96xf32, #tpu.memory_space<hbm>>)
      tpu.yield
    }) : () -> ()
    return
  }
}

#map = affine_map<(d0, d1) -> (0, 0, 0, 0)>
#map1 = affine_map<(d0, d1) -> (0, 0)>
#map2 = affine_map<(d0, d1) -> (0, 0, 0)>
module attributes {stable_mosaic.version = 14 : i64} {
  func.func @_deg_body(%arg0: i32, %arg1: i32, %arg2: memref<2x16x80x128xi32, #tpu.memory_space<hbm>>, %arg3: memref<128x8xf32, #tpu.memory_space<hbm>>, %arg4: memref<632x8xf32, #tpu.memory_space<hbm>>, %arg5: memref<2x10112x8xf32, #tpu.memory_space<hbm>>, %arg6: memref<80x128xi32, #tpu.memory_space<vmem>>, %arg7: memref<128x8xf32, #tpu.memory_space<vmem>>, %arg8: memref<10112x8xf32, #tpu.memory_space<vmem_shared>>) attributes {dimension_semantics = [#tpu.dimension_semantics<core_parallel>, #tpu.dimension_semantics<subcore_parallel>], iteration_bounds = array<i64: 2, 16>, scalar_prefetch = 0 : i64, scratch_operands = 3 : i64, tpu.core_type = #tpu.core_type<sc_vector_subcore>, window_params = [{transform_indices = #map}, {transform_indices = #map1}, {transform_indices = #map1}, {transform_indices = #map2}]} {
    "tpu.region"() ({
      %run_scoped3A = tpu.sem_alloc : memref<!tpu.dma_semaphore, #tpu.memory_space<semaphore_mem>>
      tpu.enqueue_dma source(%arg3 : memref<128x8xf32, #tpu.memory_space<hbm>>) target(%arg7 : memref<128x8xf32, #tpu.memory_space<vmem>>) target_semaphore(%run_scoped3A : memref<!tpu.dma_semaphore, #tpu.memory_space<semaphore_mem>>)
      tpu.wait_dma2 semaphore(%run_scoped3A : memref<!tpu.dma_semaphore, #tpu.memory_space<semaphore_mem>>) src(%arg3 : memref<128x8xf32, #tpu.memory_space<hbm>>) dst(%arg7 : memref<128x8xf32, #tpu.memory_space<vmem>>)
      tpu.yield
    }) : () -> ()
    "tpu.region"() ({
      %run_scoped3A = tpu.sem_alloc : memref<!tpu.dma_semaphore, #tpu.memory_space<semaphore_mem>>
      %dma_start3A = arith.constant 0 : i32
      %dma_start3A_11 = arith.constant 0 : i32
      %dma_start3A_12 = tpu.memref_slice %arg2[%arg0, %arg1, %dma_start3A, %dma_start3A_11] : memref<2x16x80x128xi32, #tpu.memory_space<hbm>> -> memref<1x1x80x128xi32, #tpu.memory_space<hbm>>
      %dma_start3A_13 = tpu.memref_squeeze %dma_start3A_12 : memref<1x1x80x128xi32, #tpu.memory_space<hbm>> -> memref<80x128xi32, #tpu.memory_space<hbm>>
      %dma_start3A_14 = arith.constant 0 : i32
      %dma_start3A_15 = arith.constant 0 : i32
      %dma_start3A_16 = tpu.memref_slice %arg2[%arg0, %arg1, %dma_start3A_14, %dma_start3A_15] : memref<2x16x80x128xi32, #tpu.memory_space<hbm>> -> memref<1x1x80x128xi32, #tpu.memory_space<hbm>>
      %dma_start3A_17 = tpu.memref_squeeze %dma_start3A_16 : memref<1x1x80x128xi32, #tpu.memory_space<hbm>> -> memref<80x128xi32, #tpu.memory_space<hbm>>
      tpu.enqueue_dma source(%dma_start3A_17 : memref<80x128xi32, #tpu.memory_space<hbm>>) target(%arg6 : memref<80x128xi32, #tpu.memory_space<vmem>>) target_semaphore(%run_scoped3A : memref<!tpu.dma_semaphore, #tpu.memory_space<semaphore_mem>>)
      %dma_wait3A = arith.constant 0 : i32
      %dma_wait3A_18 = arith.constant 0 : i32
      %dma_wait3A_19 = tpu.memref_slice %arg2[%arg0, %arg1, %dma_wait3A, %dma_wait3A_18] : memref<2x16x80x128xi32, #tpu.memory_space<hbm>> -> memref<1x1x80x128xi32, #tpu.memory_space<hbm>>
      %dma_wait3A_20 = tpu.memref_squeeze %dma_wait3A_19 : memref<1x1x80x128xi32, #tpu.memory_space<hbm>> -> memref<80x128xi32, #tpu.memory_space<hbm>>
      %dma_wait3A_21 = arith.constant 0 : i32
      %dma_wait3A_22 = arith.constant 0 : i32
      %dma_wait3A_23 = tpu.memref_slice %arg2[%arg0, %arg1, %dma_wait3A_21, %dma_wait3A_22] : memref<2x16x80x128xi32, #tpu.memory_space<hbm>> -> memref<1x1x80x128xi32, #tpu.memory_space<hbm>>
      %dma_wait3A_24 = tpu.memref_squeeze %dma_wait3A_23 : memref<1x1x80x128xi32, #tpu.memory_space<hbm>> -> memref<80x128xi32, #tpu.memory_space<hbm>>
      tpu.wait_dma2 semaphore(%run_scoped3A : memref<!tpu.dma_semaphore, #tpu.memory_space<semaphore_mem>>) src(%dma_wait3A_24 : memref<80x128xi32, #tpu.memory_space<hbm>>) dst(%arg6 : memref<80x128xi32, #tpu.memory_space<vmem>>)
      tpu.yield
    }) : () -> ()
    %mul3A = arith.constant 632 : i32
    %mul3A_0 = arith.muli %arg1, %mul3A : i32
    "tpu.region"() ({
      %run_scoped3A = tpu.sem_alloc : memref<!tpu.dma_semaphore, #tpu.memory_space<semaphore_mem>>
      %dma_start3A = arith.constant 0 : i32
      %dma_start3A_11 = tpu.memref_slice %arg8[%mul3A_0, %dma_start3A] : memref<10112x8xf32, #tpu.memory_space<vmem_shared>> -> memref<632x8xf32, #tpu.memory_space<vmem_shared>>
      tpu.enqueue_dma source(%arg4 : memref<632x8xf32, #tpu.memory_space<hbm>>) target(%dma_start3A_11 : memref<632x8xf32, #tpu.memory_space<vmem_shared>>) target_semaphore(%run_scoped3A : memref<!tpu.dma_semaphore, #tpu.memory_space<semaphore_mem>>)
      %dma_wait3A = arith.constant 0 : i32
      %dma_wait3A_12 = tpu.memref_slice %arg8[%mul3A_0, %dma_wait3A] : memref<10112x8xf32, #tpu.memory_space<vmem_shared>> -> memref<632x8xf32, #tpu.memory_space<vmem_shared>>
      tpu.wait_dma2 semaphore(%run_scoped3A : memref<!tpu.dma_semaphore, #tpu.memory_space<semaphore_mem>>) src(%arg4 : memref<632x8xf32, #tpu.memory_space<hbm>>) dst(%dma_wait3A_12 : memref<632x8xf32, #tpu.memory_space<vmem_shared>>)
      tpu.yield
    }) : () -> ()
    %barrier3A = arith.constant 0 : index
    tpu.barrier barrier_id(%barrier3A)
    %scan3A = arith.constant 0 : i32
    %scan3A_1 = arith.constant 0 : i32
    %scan3A_2 = arith.constant 80 : i32
    %scan3A_3 = arith.addi %scan3A_1, %scan3A_2 : i32
    %scan3A_4 = arith.constant 1 : i32
    scf.for %scan3A_11 = %scan3A_1 to %scan3A_3 step %scan3A_4  : i32 {
      "tpu.region"() ({
        %run_scoped3A = tpu.sem_alloc : memref<!tpu.dma_semaphore, #tpu.memory_space<semaphore_mem>>
        %dma_start3A = arith.constant 0 : i32
        %dma_start3A_12 = tpu.memref_slice %arg6[%scan3A_11, %dma_start3A] : memref<80x128xi32, #tpu.memory_space<vmem>> -> memref<1x128xi32, #tpu.memory_space<vmem>>
        %dma_start3A_13 = tpu.memref_squeeze %dma_start3A_12 : memref<1x128xi32, #tpu.memory_space<vmem>> -> memref<128xi32, #tpu.memory_space<vmem>>
        %dma_start3A_14 = arith.constant 0 : i32
        %dma_start3A_15 = arith.constant 0 : i32
        %dma_start3A_16 = tpu.memref_slice %arg8[%dma_start3A_14, %dma_start3A_15] : memref<10112x8xf32, #tpu.memory_space<vmem_shared>> -> memref<10112x8xf32, #tpu.memory_space<vmem_shared>>
        tpu.enqueue_indirect_dma source(%arg7 : memref<128x8xf32, #tpu.memory_space<vmem>>) target(%dma_start3A_16 : memref<10112x8xf32, #tpu.memory_space<vmem_shared>>) offsets(%dma_start3A_13 : memref<128xi32, #tpu.memory_space<vmem>>) semaphore(%run_scoped3A : memref<!tpu.dma_semaphore, #tpu.memory_space<semaphore_mem>>) {add = true}
        %dma_wait3A = arith.constant 0 : i32
        %dma_wait3A_17 = tpu.memref_slice %arg6[%scan3A_11, %dma_wait3A] : memref<80x128xi32, #tpu.memory_space<vmem>> -> memref<1x128xi32, #tpu.memory_space<vmem>>
        %dma_wait3A_18 = tpu.memref_squeeze %dma_wait3A_17 : memref<1x128xi32, #tpu.memory_space<vmem>> -> memref<128xi32, #tpu.memory_space<vmem>>
        %dma_wait3A_19 = arith.constant 0 : i32
        %dma_wait3A_20 = arith.constant 0 : i32
        %dma_wait3A_21 = tpu.memref_slice %arg8[%dma_wait3A_19, %dma_wait3A_20] : memref<10112x8xf32, #tpu.memory_space<vmem_shared>> -> memref<10112x8xf32, #tpu.memory_space<vmem_shared>>
        tpu.wait_indirect_dma semaphore(%run_scoped3A : memref<!tpu.dma_semaphore, #tpu.memory_space<semaphore_mem>>) src(%arg7 : memref<128x8xf32, #tpu.memory_space<vmem>>) dst(%dma_wait3A_21 : memref<10112x8xf32, #tpu.memory_space<vmem_shared>>)
        tpu.yield
      }) : () -> ()
    }
    %scan3A_5 = arith.constant 80 : i32
    %barrier3A_6 = arith.constant 0 : index
    tpu.barrier barrier_id(%barrier3A_6)
    %mul3A_7 = arith.constant 632 : i32
    %mul3A_8 = arith.muli %arg1, %mul3A_7 : i32
    %mul3A_9 = arith.constant 632 : i32
    %mul3A_10 = arith.muli %arg1, %mul3A_9 : i32
    "tpu.region"() ({
      %run_scoped3A = tpu.sem_alloc : memref<!tpu.dma_semaphore, #tpu.memory_space<semaphore_mem>>
      %dma_start3A = arith.constant 0 : i32
      %dma_start3A_11 = tpu.memref_slice %arg5[%arg0, %mul3A_10, %dma_start3A] : memref<2x10112x8xf32, #tpu.memory_space<hbm>> -> memref<1x632x8xf32, #tpu.memory_space<hbm>>
      %dma_start3A_12 = tpu.memref_squeeze %dma_start3A_11 : memref<1x632x8xf32, #tpu.memory_space<hbm>> -> memref<632x8xf32, #tpu.memory_space<hbm>>
      %dma_start3A_13 = arith.constant 0 : i32
      %dma_start3A_14 = tpu.memref_slice %arg8[%mul3A_8, %dma_start3A_13] : memref<10112x8xf32, #tpu.memory_space<vmem_shared>> -> memref<632x8xf32, #tpu.memory_space<vmem_shared>>
      tpu.enqueue_dma source(%dma_start3A_14 : memref<632x8xf32, #tpu.memory_space<vmem_shared>>) target(%dma_start3A_12 : memref<632x8xf32, #tpu.memory_space<hbm>>) target_semaphore(%run_scoped3A : memref<!tpu.dma_semaphore, #tpu.memory_space<semaphore_mem>>)
      %dma_wait3A = arith.constant 0 : i32
      %dma_wait3A_15 = tpu.memref_slice %arg5[%arg0, %mul3A_10, %dma_wait3A] : memref<2x10112x8xf32, #tpu.memory_space<hbm>> -> memref<1x632x8xf32, #tpu.memory_space<hbm>>
      %dma_wait3A_16 = tpu.memref_squeeze %dma_wait3A_15 : memref<1x632x8xf32, #tpu.memory_space<hbm>> -> memref<632x8xf32, #tpu.memory_space<hbm>>
      %dma_wait3A_17 = arith.constant 0 : i32
      %dma_wait3A_18 = tpu.memref_slice %arg8[%mul3A_8, %dma_wait3A_17] : memref<10112x8xf32, #tpu.memory_space<vmem_shared>> -> memref<632x8xf32, #tpu.memory_space<vmem_shared>>
      tpu.wait_dma2 semaphore(%run_scoped3A : memref<!tpu.dma_semaphore, #tpu.memory_space<semaphore_mem>>) src(%dma_wait3A_18 : memref<632x8xf32, #tpu.memory_space<vmem_shared>>) dst(%dma_wait3A_16 : memref<632x8xf32, #tpu.memory_space<hbm>>)
      tpu.yield
    }) : () -> ()
    return
  }
}

module attributes {stable_mosaic.version = 14 : i64} {
  func.func @_tc1_body(%arg0: i32, %arg1: memref<1264x128xf32, #tpu.memory_space<vmem>>, %arg2: memref<128x96xf32, #tpu.memory_space<vmem>>, %arg3: memref<2x1264x8xf32, #tpu.memory_space<vmem>>, %arg4: memref<1264x96xf32, #tpu.memory_space<vmem>>, %arg5: memref<1264x8xf32, #tpu.memory_space<vmem>>) attributes {dimension_semantics = [#tpu.dimension_semantics<arbitrary>], iteration_bounds = array<i64: 8>, scalar_prefetch = 0 : i64, scratch_operands = 0 : i64, tpu.core_type = #tpu.core_type<tc>, window_params = [{transform_indices = @transform_0, window_bounds = array<i64: 1264, 128>}, {pipeline_mode = #tpu.pipeline_mode<synchronous>, transform_indices = @transform_1, window_bounds = array<i64: 128, 96>}, {transform_indices = @transform_2, window_bounds = array<i64: 2, 1264, 8>}, {transform_indices = @transform_3, window_bounds = array<i64: 1264, 96>}, {transform_indices = @transform_4, window_bounds = array<i64: 1264, 8>}]} {
    %get3A = arith.constant 0 : index
    %get3A_0 = arith.constant 0 : index
    %get3A_1 = arith.constant 0 : index
    %get3A_2 = vector.load %arg3[%get3A, %get3A_0, %get3A_1] : memref<2x1264x8xf32, #tpu.memory_space<vmem>>, vector<1x1264x8xf32>
    %get3A_3 = vector.shape_cast %get3A_2 : vector<1x1264x8xf32> to vector<1264x8xf32>
    %get3A_4 = arith.constant 1 : index
    %get3A_5 = arith.constant 0 : index
    %get3A_6 = arith.constant 0 : index
    %get3A_7 = vector.load %arg3[%get3A_4, %get3A_5, %get3A_6] : memref<2x1264x8xf32, #tpu.memory_space<vmem>>, vector<1x1264x8xf32>
    %get3A_8 = vector.shape_cast %get3A_7 : vector<1x1264x8xf32> to vector<1264x8xf32>
    %add3A = arith.addf %get3A_3, %get3A_8 : vector<1264x8xf32>
    %add3A_9 = arith.constant 1.000000e+00 : f32
    %add3A_10 = vector.broadcast %add3A_9 : f32 to vector<1264x8xf32>
    %add3A_11 = arith.addf %add3A, %add3A_10 : vector<1264x8xf32>
    %rsqrt3A = math.rsqrt %add3A_11 : vector<1264x8xf32>
    %swap3A = arith.constant 0 : index
    %swap3A_12 = arith.constant 0 : index
    %swap3A_13 = vector.load %arg5[%swap3A, %swap3A_12] : memref<1264x8xf32, #tpu.memory_space<vmem>>, vector<1264x8xf32>
    tpu.vector_store %arg5[%swap3A, %swap3A_12], %rsqrt3A {strides = array<i32>} : memref<1264x8xf32, #tpu.memory_space<vmem>>, vector<1264x8xf32>,
    %get3A_14 = arith.constant 0 : index
    %get3A_15 = arith.constant 0 : index
    %get3A_16 = vector.load %arg1[%get3A_14, %get3A_15] : memref<1264x128xf32, #tpu.memory_space<vmem>>, vector<1264x128xf32>
    %get3A_17 = arith.constant 0 : index
    %get3A_18 = arith.constant 0 : index
    %get3A_19 = vector.load %arg2[%get3A_17, %get3A_18] : memref<128x96xf32, #tpu.memory_space<vmem>>, vector<128x96xf32>
    %dot_general3A = arith.constant dense<0.000000e+00> : vector<1264x96xf32>
    %dot_general3A_20 = tpu.matmul %get3A_16, %get3A_19, %dot_general3A {dimension_numbers = #tpu.dot_dimension_numbers<[1], [0], [0], [1], [0, 0, 1, 1], [], []>, transpose_lhs_hint = false} : vector<1264x128xf32>, vector<128x96xf32>, vector<1264x96xf32> -> vector<1264x96xf32>
    %slice3A = vector.extract_strided_slice %rsqrt3A {offsets = [0, 0], sizes = [1264, 1], strides = [1, 1]} : vector<1264x8xf32> to vector<1264x1xf32>
    %mul3A = vector.broadcast %slice3A : vector<1264x1xf32> to vector<1264x96xf32>
    %mul3A_21 = arith.mulf %dot_general3A_20, %mul3A : vector<1264x96xf32>
    %swap3A_22 = arith.constant 0 : index
    %swap3A_23 = arith.constant 0 : index
    %swap3A_24 = vector.load %arg4[%swap3A_22, %swap3A_23] : memref<1264x96xf32, #tpu.memory_space<vmem>>, vector<1264x96xf32>
    tpu.vector_store %arg4[%swap3A_22, %swap3A_23], %mul3A_21 {strides = array<i32>} : memref<1264x96xf32, #tpu.memory_space<vmem>>, vector<1264x96xf32>,
    return
  }
  func.func @transform_0(%arg0: i32) -> (i32, i32) {
    %c0_i32 = arith.constant 0 : i32
    %c0_i32_0 = arith.constant 0 : i32
    return %arg0, %c0_i32 : i32, i32
  }
  func.func @transform_1(%arg0: i32) -> (i32, i32) {
    %c0_i32 = arith.constant 0 : i32
    %c0_i32_0 = arith.constant 0 : i32
    %c0_i32_1 = arith.constant 0 : i32
    return %c0_i32, %c0_i32_0 : i32, i32
  }
  func.func @transform_2(%arg0: i32) -> (i32, i32, i32) {
    %c0_i32 = arith.constant 0 : i32
    %c0_i32_0 = arith.constant 0 : i32
    %c0_i32_1 = arith.constant 0 : i32
    return %c0_i32, %arg0, %c0_i32_0 : i32, i32, i32
  }
  func.func @transform_3(%arg0: i32) -> (i32, i32) {
    %c0_i32 = arith.constant 0 : i32
    %c0_i32_0 = arith.constant 0 : i32
    return %arg0, %c0_i32 : i32, i32
  }
  func.func @transform_4(%arg0: i32) -> (i32, i32) {
    %c0_i32 = arith.constant 0 : i32
    %c0_i32_0 = arith.constant 0 : i32
    return %arg0, %c0_i32 : i32, i32
  }
}

module attributes {stable_mosaic.version = 14 : i64} {
  func.func @_tc2_body(%arg0: i32, %arg1: memref<2x1264x96xf32, #tpu.memory_space<vmem>>, %arg2: memref<1264x96xf32, #tpu.memory_space<vmem>>, %arg3: memref<1264x8xf32, #tpu.memory_space<vmem>>, %arg4: memref<1x96xf32, #tpu.memory_space<vmem>>, %arg5: memref<1264x96xf32, #tpu.memory_space<vmem>>) attributes {dimension_semantics = [#tpu.dimension_semantics<arbitrary>], iteration_bounds = array<i64: 8>, scalar_prefetch = 0 : i64, scratch_operands = 0 : i64, tpu.core_type = #tpu.core_type<tc>, window_params = [{transform_indices = @transform_0, window_bounds = array<i64: 2, 1264, 96>}, {transform_indices = @transform_1, window_bounds = array<i64: 1264, 96>}, {transform_indices = @transform_2, window_bounds = array<i64: 1264, 8>}, {pipeline_mode = #tpu.pipeline_mode<synchronous>, transform_indices = @transform_3, window_bounds = array<i64: 1, 96>}, {transform_indices = @transform_4, window_bounds = array<i64: 1264, 96>}]} {
    %get3A = arith.constant 0 : index
    %get3A_0 = arith.constant 0 : index
    %get3A_1 = vector.load %arg3[%get3A, %get3A_0] : memref<1264x8xf32, #tpu.memory_space<vmem>>, vector<1264x1xf32>
    %get3A_2 = arith.constant 0 : index
    %get3A_3 = arith.constant 0 : index
    %get3A_4 = arith.constant 0 : index
    %get3A_5 = vector.load %arg1[%get3A_2, %get3A_3, %get3A_4] : memref<2x1264x96xf32, #tpu.memory_space<vmem>>, vector<1x1264x96xf32>
    %get3A_6 = vector.shape_cast %get3A_5 : vector<1x1264x96xf32> to vector<1264x96xf32>
    %get3A_7 = arith.constant 1 : index
    %get3A_8 = arith.constant 0 : index
    %get3A_9 = arith.constant 0 : index
    %get3A_10 = vector.load %arg1[%get3A_7, %get3A_8, %get3A_9] : memref<2x1264x96xf32, #tpu.memory_space<vmem>>, vector<1x1264x96xf32>
    %get3A_11 = vector.shape_cast %get3A_10 : vector<1x1264x96xf32> to vector<1264x96xf32>
    %add3A = arith.addf %get3A_6, %get3A_11 : vector<1264x96xf32>
    %get3A_12 = arith.constant 0 : index
    %get3A_13 = arith.constant 0 : index
    %get3A_14 = vector.load %arg2[%get3A_12, %get3A_13] : memref<1264x96xf32, #tpu.memory_space<vmem>>, vector<1264x96xf32>
    %add3A_15 = arith.addf %add3A, %get3A_14 : vector<1264x96xf32>
    %mul3A = vector.broadcast %get3A_1 : vector<1264x1xf32> to vector<1264x96xf32>
    %mul3A_16 = arith.mulf %mul3A, %add3A_15 : vector<1264x96xf32>
    %get3A_17 = arith.constant 0 : index
    %get3A_18 = arith.constant 0 : index
    %get3A_19 = vector.load %arg4[%get3A_17, %get3A_18] : memref<1x96xf32, #tpu.memory_space<vmem>>, vector<1x96xf32>
    %add3A_20 = vector.broadcast %get3A_19 : vector<1x96xf32> to vector<1264x96xf32>
    %add3A_21 = arith.addf %mul3A_16, %add3A_20 : vector<1264x96xf32>
    %max3A = arith.constant 0.000000e+00 : f32
    %max3A_22 = vector.broadcast %max3A : f32 to vector<1264x96xf32>
    %max3A_23 = arith.maximumf %add3A_21, %max3A_22 : vector<1264x96xf32>
    %mul3A_24 = vector.broadcast %get3A_1 : vector<1264x1xf32> to vector<1264x96xf32>
    %mul3A_25 = arith.mulf %max3A_23, %mul3A_24 : vector<1264x96xf32>
    %swap3A = arith.constant 0 : index
    %swap3A_26 = arith.constant 0 : index
    %swap3A_27 = vector.load %arg5[%swap3A, %swap3A_26] : memref<1264x96xf32, #tpu.memory_space<vmem>>, vector<1264x96xf32>
    tpu.vector_store %arg5[%swap3A, %swap3A_26], %mul3A_25 {strides = array<i32>} : memref<1264x96xf32, #tpu.memory_space<vmem>>, vector<1264x96xf32>,
    return
  }
  func.func @transform_0(%arg0: i32) -> (i32, i32, i32) {
    %c0_i32 = arith.constant 0 : i32
    %c0_i32_0 = arith.constant 0 : i32
    %c0_i32_1 = arith.constant 0 : i32
    return %c0_i32, %arg0, %c0_i32_0 : i32, i32, i32
  }
  func.func @transform_1(%arg0: i32) -> (i32, i32) {
    %c0_i32 = arith.constant 0 : i32
    %c0_i32_0 = arith.constant 0 : i32
    return %arg0, %c0_i32 : i32, i32
  }
  func.func @transform_2(%arg0: i32) -> (i32, i32) {
    %c0_i32 = arith.constant 0 : i32
    %c0_i32_0 = arith.constant 0 : i32
    return %arg0, %c0_i32 : i32, i32
  }
  func.func @transform_3(%arg0: i32) -> (i32, i32) {
    %c0_i32 = arith.constant 0 : i32
    %c0_i32_0 = arith.constant 0 : i32
    %c0_i32_1 = arith.constant 0 : i32
    return %c0_i32, %c0_i32_0 : i32, i32
  }
  func.func @transform_4(%arg0: i32) -> (i32, i32) {
    %c0_i32 = arith.constant 0 : i32
    %c0_i32_0 = arith.constant 0 : i32
    return %arg0, %c0_i32 : i32, i32
  }
}

module attributes {stable_mosaic.version = 14 : i64} {
  func.func @_tc3_body(%arg0: i32, %arg1: memref<2x1264x96xf32, #tpu.memory_space<vmem>>, %arg2: memref<1264x96xf32, #tpu.memory_space<vmem>>, %arg3: memref<1264x8xf32, #tpu.memory_space<vmem>>, %arg4: memref<96x128xf32, #tpu.memory_space<vmem>>, %arg5: memref<1x128xf32, #tpu.memory_space<vmem>>, %arg6: memref<1264x128xf32, #tpu.memory_space<vmem>>) attributes {dimension_semantics = [#tpu.dimension_semantics<arbitrary>], iteration_bounds = array<i64: 8>, scalar_prefetch = 0 : i64, scratch_operands = 0 : i64, tpu.core_type = #tpu.core_type<tc>, window_params = [{transform_indices = @transform_0, window_bounds = array<i64: 2, 1264, 96>}, {transform_indices = @transform_1, window_bounds = array<i64: 1264, 96>}, {transform_indices = @transform_2, window_bounds = array<i64: 1264, 8>}, {pipeline_mode = #tpu.pipeline_mode<synchronous>, transform_indices = @transform_3, window_bounds = array<i64: 96, 128>}, {pipeline_mode = #tpu.pipeline_mode<synchronous>, transform_indices = @transform_4, window_bounds = array<i64: 1, 128>}, {transform_indices = @transform_5, window_bounds = array<i64: 1264, 128>}]} {
    %get3A = arith.constant 0 : index
    %get3A_0 = arith.constant 0 : index
    %get3A_1 = vector.load %arg3[%get3A, %get3A_0] : memref<1264x8xf32, #tpu.memory_space<vmem>>, vector<1264x1xf32>
    %get3A_2 = arith.constant 0 : index
    %get3A_3 = arith.constant 0 : index
    %get3A_4 = arith.constant 0 : index
    %get3A_5 = vector.load %arg1[%get3A_2, %get3A_3, %get3A_4] : memref<2x1264x96xf32, #tpu.memory_space<vmem>>, vector<1x1264x96xf32>
    %get3A_6 = vector.shape_cast %get3A_5 : vector<1x1264x96xf32> to vector<1264x96xf32>
    %get3A_7 = arith.constant 1 : index
    %get3A_8 = arith.constant 0 : index
    %get3A_9 = arith.constant 0 : index
    %get3A_10 = vector.load %arg1[%get3A_7, %get3A_8, %get3A_9] : memref<2x1264x96xf32, #tpu.memory_space<vmem>>, vector<1x1264x96xf32>
    %get3A_11 = vector.shape_cast %get3A_10 : vector<1x1264x96xf32> to vector<1264x96xf32>
    %add3A = arith.addf %get3A_6, %get3A_11 : vector<1264x96xf32>
    %get3A_12 = arith.constant 0 : index
    %get3A_13 = arith.constant 0 : index
    %get3A_14 = vector.load %arg2[%get3A_12, %get3A_13] : memref<1264x96xf32, #tpu.memory_space<vmem>>, vector<1264x96xf32>
    %add3A_15 = arith.addf %add3A, %get3A_14 : vector<1264x96xf32>
    %mul3A = vector.broadcast %get3A_1 : vector<1264x1xf32> to vector<1264x96xf32>
    %mul3A_16 = arith.mulf %mul3A, %add3A_15 : vector<1264x96xf32>
    %get3A_17 = arith.constant 0 : index
    %get3A_18 = arith.constant 0 : index
    %get3A_19 = vector.load %arg4[%get3A_17, %get3A_18] : memref<96x128xf32, #tpu.memory_space<vmem>>, vector<96x128xf32>
    %dot_general3A = arith.constant dense<0.000000e+00> : vector<1264x128xf32>
    %dot_general3A_20 = tpu.matmul %mul3A_16, %get3A_19, %dot_general3A {dimension_numbers = #tpu.dot_dimension_numbers<[1], [0], [0], [1], [0, 0, 1, 1], [], []>, transpose_lhs_hint = false} : vector<1264x96xf32>, vector<96x128xf32>, vector<1264x128xf32> -> vector<1264x128xf32>
    %get3A_21 = arith.constant 0 : index
    %get3A_22 = arith.constant 0 : index
    %get3A_23 = vector.load %arg5[%get3A_21, %get3A_22] : memref<1x128xf32, #tpu.memory_space<vmem>>, vector<1x128xf32>
    %add3A_24 = vector.broadcast %get3A_23 : vector<1x128xf32> to vector<1264x128xf32>
    %add3A_25 = arith.addf %dot_general3A_20, %add3A_24 : vector<1264x128xf32>
    %swap3A = arith.constant 0 : index
    %swap3A_26 = arith.constant 0 : index
    %swap3A_27 = vector.load %arg6[%swap3A, %swap3A_26] : memref<1264x128xf32, #tpu.memory_space<vmem>>, vector<1264x128xf32>
    tpu.vector_store %arg6[%swap3A, %swap3A_26], %add3A_25 {strides = array<i32>} : memref<1264x128xf32, #tpu.memory_space<vmem>>, vector<1264x128xf32>,
    return
  }
  func.func @transform_0(%arg0: i32) -> (i32, i32, i32) {
    %c0_i32 = arith.constant 0 : i32
    %c0_i32_0 = arith.constant 0 : i32
    %c0_i32_1 = arith.constant 0 : i32
    return %c0_i32, %arg0, %c0_i32_0 : i32, i32, i32
  }
  func.func @transform_1(%arg0: i32) -> (i32, i32) {
    %c0_i32 = arith.constant 0 : i32
    %c0_i32_0 = arith.constant 0 : i32
    return %arg0, %c0_i32 : i32, i32
  }
  func.func @transform_2(%arg0: i32) -> (i32, i32) {
    %c0_i32 = arith.constant 0 : i32
    %c0_i32_0 = arith.constant 0 : i32
    return %arg0, %c0_i32 : i32, i32
  }
  func.func @transform_3(%arg0: i32) -> (i32, i32) {
    %c0_i32 = arith.constant 0 : i32
    %c0_i32_0 = arith.constant 0 : i32
    %c0_i32_1 = arith.constant 0 : i32
    return %c0_i32, %c0_i32_0 : i32, i32
  }
  func.func @transform_4(%arg0: i32) -> (i32, i32) {
    %c0_i32 = arith.constant 0 : i32
    %c0_i32_0 = arith.constant 0 : i32
    %c0_i32_1 = arith.constant 0 : i32
    return %c0_i32, %c0_i32_0 : i32, i32
  }
  func.func @transform_5(%arg0: i32) -> (i32, i32) {
    %c0_i32 = arith.constant 0 : i32
    %c0_i32_0 = arith.constant 0 : i32
    return %arg0, %c0_i32 : i32, i32
  }
}

</mosaic_0001>

<sc_bundles>
// kernel: kernel.11.cloned.1.call-start
scs
__scs_entry_jumppad:
0x0: {  	(pc) =	sbr.rel $0x88, $3  }
0x1: {  	(tag) =	ssettag $0x0;
	lr =	simm.s32 $0x1  }
0x2: {  	[smem:$0x3F99] =	sst lr;
	_ =	strace $0xD0000000  }
0x3: {  	_ = 	snop  }
0x4: {  	_ = 	snop  }
0x5: {  	_ = 	snop  }
0x6: {  	_ = 	snop  }
0x7: {  	_ = 	snop  }
__scs_overlays_trampoline_lowered:
0x8: {  	[smem:$0x3FA8] =	sst s0  }
0x9: {  	[smem:$0x3FA9] =	sst s1  }
0xa: {  	[smem:$0x3FAA] =	sst s2  }
0xb: {  	[smem:$0x3FAB] =	sst s3  }
0xc: {  	[smem:$0x3FAC] =	sst s4  }
0xd: {  	[smem:$0x3FAD] =	sst s5  }
0xe: {  	[smem:$0x3FAE] =	sst s6  }
0xf: {  	[smem:$0x3FAF] =	sst s7  }
0x10: {  	[smem:$0x3FB0] =	sst s8  }
0x11: {  	[smem:$0x3FB1] =	sst s9;
	s0 =	simm.s32 @!p0 $0x0  }
0x12: {  	s1 =	sld [smem:$0x3F97];
	s0 =	simm.s32 @p0 $0x1  }
0x13: {  	[smem:$0x3FB2] =	sst s0;
	s0 =	simm.s32 @!p1 $0x0  }
0x14: {  	s2 =	sld [smem:$0x3F96];
	s0 =	simm.s32 @p1 $0x1  }
0x15: {  	[smem:$0x3FB3] =	sst s0;
	s0 =	simm.s32 @!p2 $0x0  }
0x16: {  	s3 =	sld [smem:$0x3FDB];
	s0 =	simm.s32 @p2 $0x1  }
0x17: {  	s4 =	simm.s32 $0x1BF5;
	[smem:$0x3FB5] =	sst s0  }
0x18: {  	s0 =	sld [smem:$0x3F98];
	_ =	swait.ge [sflag:s4], $0x0  }
0x19: {  	s7 =	sld [smem:$0x3F99]  }
0x1a: {  	s8 =	sadd.s32 $0xFFFFE003, lr  }
0x1b: {  	s9 =	sadd.s32 $0xFFFFFEF7, lr;
	s5 =	simm.s32 $0xFFFFFFFF;
	p2 =	slt.u32 s8, $0xFFFFF086  }
0x1c: {  	p1 =	slt.u32 s9, $0xF7A;
	s5 =	simm.s32 @!p2 $0x0  }
0x1d: {  	s5 =	simm.s32 @p1 $0x1;
	p0 =	seq.s32 s7, s2  }
0x1e: {  	s7 =	smul.u32 @!p0 $0xF7A, s2;
	p2 =	seq.s32 @!p0 s5, $0x0  }
0x1f: {  	s9 =	smul.u32 $0xF7A, s1;
	s8 =	simm.s32 @!p0 $0x1BF5;
	p2 =	por !p2, p0  }
0x20: {  	[sflag:s8] =	ssyncset.s32 @!p0 $0xFFFFF086;
	s6 =	sadd.s32 @!p0 s3, s7;
	s7 =	simm.s32 @!p0 $0x108  }
0x21: {  	s3 =	sadd.s32 s3, s9;
	s6 =	sadd.s32 @!p0 $0x88, s6;
	s7 =	simm.s32 @p2 $0x1082  }
0x22: {  	[simem:s7], [sflag:s8] =	dma.local @!p0 [hbm:s6], $0xF7A  }
0x23: {  	s9 =	sor.u32 $0xD0000000, s2;
	s6 =	simm.s32 $0x108;
	_ =	swait.ge @!p0 [sflag:s8], $0x0  }
0x24: {  	s3 =	sadd.s32 $0x88, s3;
	s6 =	simm.s32 @!p1 $0x1082;
	[sflag:s4] =	ssyncset.s32 $0xFFFFF086  }
0x25: {  	[simem:s6], [sflag:s4] =	dma.local [hbm:s3], $0xF7A  }
0x26: {  	[smem:$0x3F99] =	sst s1;
	(tag) =	ssettag s2;
	_ =	strace s9  }
0x27: {  	s1 =	sld [smem:$0x3FA9]  }
0x28: {  	s2 =	sld [smem:$0x3FAA]  }
0x29: {  	s4 =	sld [smem:$0x3FAC]  }
0x2a: {  	p0 =	seq.s32 s5, $0x0;
	s5 =	sld [smem:$0x3FAD]  }
0x2b: {  	s6 =	sld [smem:$0x3FAE]  }
0x2c: {  	s7 =	sld [smem:$0x3FAF]  }
0x2d: {  	s3 =	simm.s32 $0x108;
	s8 =	sld [smem:$0x3FB0]  }
0x2e: {  	s3 =	simm.s32 @!p0 $0x1082;
	s9 =	sld [smem:$0x3FB1]  }
0x2f: {  	lr =	sadd.s32 s0, s3;
	s0 =	sld [smem:$0x3FA8]  }
0x30: {  	s3 =	sld [smem:$0x3FAB]  }
0x31: {  	[smem:$0x3FB4] =	sst s10  }
0x32: {  	s10 =	sld [smem:$0x3FB2];
	_ =	sdelay $0x3  }
0x33: {  	p0 =	seq.s32 s10, $0x1;
	s10 =	sld [smem:$0x3FB4];
	_ =	sdelay $0x3  }
0x34: {  	[smem:$0x3FB4] =	sst s10  }
0x35: {  	s10 =	sld [smem:$0x3FB3];
	_ =	sdelay $0x3  }
0x36: {  	p1 =	seq.s32 s10, $0x1;
	s10 =	sld [smem:$0x3FB4];
	_ =	sdelay $0x3  }
0x37: {  	[smem:$0x3FB4] =	sst s10  }
0x38: {  	s10 =	sld [smem:$0x3FB5]  }
0x39: {  	_ = 	snop;
	(pc) =	sbr.ind lr, $3  }
0x3a: {  	_ = 	snop  }
0x3b: {  	_ = 	snop  }
0x3c: {  	p2 =	seq.s32 s10, $0x1;
	s10 =	sld [smem:$0x3FB4]  }
0x3d: {  	_ =	shalt  }
0x3e: {  	_ =	shalt  }
0x3f: {  	_ =	shalt  }
0x40: {  	_ =	shalt  }
0x41: {  	_ =	shalt  }
0x42: {  	_ =	shalt  }
0x43: {  	_ =	shalt  }
0x44: {  	_ =	shalt  }
0x45: {  	_ =	shalt  }
0x46: {  	_ =	shalt  }
0x47: {  	_ =	shalt  }
0x48: {  	_ =	shalt  }
0x49: {  	_ =	shalt  }
0x4a: {  	_ =	shalt  }
0x4b: {  	_ =	shalt  }
0x4c: {  	_ =	shalt  }
0x4d: {  	_ =	shalt  }
0x4e: {  	_ =	shalt  }
0x4f: {  	_ =	shalt  }
0x50: {  	_ =	shalt  }
0x51: {  	_ =	shalt  }
0x52: {  	_ =	shalt  }
0x53: {  	_ =	shalt  }
0x54: {  	_ =	shalt  }
0x55: {  	_ =	shalt  }
0x56: {  	_ =	shalt  }
0x57: {  	_ =	shalt  }
0x58: {  	_ =	shalt  }
0x59: {  	_ =	shalt  }
0x5a: {  	_ =	shalt  }
0x5b: {  	_ =	shalt  }
0x5c: {  	_ =	shalt  }
0x5d: {  	_ =	shalt  }
0x5e: {  	_ =	shalt  }
0x5f: {  	_ =	shalt  }
0x60: {  	_ =	shalt  }
0x61: {  	_ =	shalt  }
0x62: {  	_ =	shalt  }
0x63: {  	_ =	shalt  }
0x64: {  	_ =	shalt  }
0x65: {  	_ =	shalt  }
0x66: {  	_ =	shalt  }
0x67: {  	_ =	shalt  }
0x68: {  	_ =	shalt  }
0x69: {  	_ =	shalt  }
0x6a: {  	_ =	shalt  }
0x6b: {  	_ =	shalt  }
0x6c: {  	_ =	shalt  }
0x6d: {  	_ =	shalt  }
0x6e: {  	_ =	shalt  }
0x6f: {  	_ =	shalt  }
0x70: {  	_ =	shalt  }
0x71: {  	_ =	shalt  }
0x72: {  	_ =	shalt  }
0x73: {  	_ =	shalt  }
0x74: {  	_ =	shalt  }
0x75: {  	_ =	shalt  }
0x76: {  	_ =	shalt  }
0x77: {  	_ =	shalt  }
0x78: {  	_ =	shalt  }
0x79: {  	_ =	shalt  }
0x7a: {  	_ =	shalt  }
0x7b: {  	_ =	shalt  }
0x7c: {  	_ =	shalt  }
0x7d: {  	_ =	shalt  }
0x7e: {  	_ =	shalt  }
0x7f: {  	_ =	shalt  }
0x80: {  	_ =	shalt  }
0x81: {  	_ =	shalt  }
0x82: {  	_ =	shalt  }
0x83: {  	_ =	shalt  }
0x84: {  	_ =	shalt  }
0x85: {  	_ =	shalt  }
0x86: {  	_ =	shalt  }
0x87: {  	_ =	shalt  }
.Lfunc_end0:
.L_simem_size_0:
called_computation.1_lowered:
.L_overlay_start_0:
0x88: {  	s2 =	sld [smem:$0x3FD9]  }
0x89: {  	s3 =	sld [smem:$0x3FFE];
	_ =	sdelay $0x1  }
0x8a: {  	s1 =	srdreg.scid  }
0x8b: {  	s0 =	sand.u32 $0x1, s1  }
0x8c: {  	s15 =	sshll.u32 s0, $0xA;
	s2 =	sadd.s32 s3, s2  }
0x8d: {  	s2 =	sadd.s32 s2, s15  }
0x8e: {  	[smem:$0x3FC0] =	sst s2  }
0x8f: {  	_ = 	snop  }
0x90: {  	s2 =	sld [smem:$0x3FD0];
	_ =	sdelay $0x2  }
0x91: {  	s4 =	simm.s32 $0xB;
	s16 =	simm.s32 $0x10  }
0x92: {  	[smem:s16], [sflag:s4] =	dma.local [hbm:s2], $0x1  }
0x93: {  	_ =	swait.eq [sflag:s4], $0x1  }
0x94: {  	[sflag:s4] =	ssyncset.done $0x0  }
0x95: {  	s17 =	sld [smem:$0x10];
	[sflag:s4] =	ssyncadd.s32 $0xFFFFFFFF  }
0x96: {  	s18 =	sld [smem:$0x11];
	(tm) =	ssettm $0x1  }
0x97: {  	s19 =	sld [smem:$0x3FFB];
	_ =	sdelay $0x3  }
0x98: {  	_ =	strace s19  }
0x99: {  	s2 =	sld [smem:$0x3FFC];
	_ =	sdelay $0x3  }
0x9a: {  	_ =	strace s2  }
0x9b: {  	s2 =	sld [smem:$0x3FFD];
	_ =	sdelay $0x3  }
0x9c: {  	_ =	strace s2  }
0x9d: {  	_ =	strace $0x8FFFFFFF  }
0x9e: {  	s20 =	sld [smem:$0x3FDB];
	_ =	sdelay $0x1  }
0x9f: {  	s5 =	simm.s32 $_scs_section_size  }
0xa0: {  	s6 =	simm.s32 $_size__tile_overlayer_lowered;
	s7 =	simm.s32 $_tile_overlayer_lowered  }
0xa1: {  	s8 =	simm.s32 $0x1BFF;
	s21 =	sshll.u32 s7, $0x1;
	s5 =	sadd.s32 s5, s20  }
0xa2: {  	s22 =	simm.s32 $0x0;
	s6 =	sshll.u32 s6, $0x1;
	s7 =	sadd.s32 s21, s5  }
0xa3: {  	[timem:s22], [sflag:s8] =	dma.local [hbm:s7], s6  }
0xa4: {  	_ =	swait.ge [sflag:s8], s6  }
0xa5: {  	s6 =	ssub.s32 $0x0, s6;
	[sflag:s8] =	ssyncset.done $0x0  }
0xa6: {  	[sflag:s8] =	ssyncadd.s32 s6;
	_ =	sdelay $0x1  }
0xa7: {  	s23 =	simm.s32 $0x1B8B  }
0xa8: {  	_ =	swait.ge [sflag:s23], $0x1  }
0xa9: {  	[sflag:s23] =	ssyncset.done $0x0  }
0xaa: {  	[sflag:s23] =	ssyncadd.s32 $0xFFFFFFFF  }
0xab: {  	s6 =	sld [smem:$0x0]  }
0xac: {  	s7 =	sand.u32 $0xFFFFFFFE, s1  }
0xad: {  	p0 =	sne.s32 s1, s7  }
0xae: {  	s7 =	sshll.u32 @p0 s7, $0xE  }
0xaf: {  	s7 =	sadd.s32 @p0 $0x11B8D, s7;
	s8 =	sshll.u32 @p0 s6, $0x11  }
0xb0: {  	s7 =	sor.u32 @p0 s8, s7  }
0xb1: {  	[sflag:s7] =	ssyncadd.remote.s32 @p0 $0x1;
	_ =	sdelay $0x1  }
0xb2: {  	s7 =	simm.s32 @p0 $0x1B8D  }
0xb3: {  	_ =	swait.eq @p0 [sflag:s7], $0x1  }
0xb4: {  	[sflag:s7] =	ssyncadd.s32 @p0 $0xFFFFFFFF  }
0xb5: {  	s8 =	sshll.u32 @!p0 s1, $0xE  }
0xb6: {  	s8 =	sor.u32 @!p0 $0x4000, s8;
	s7 =	simm.s32 @!p0 $0x1B8D  }
0xb7: {  	s6 =	sshll.u32 @!p0 s6, $0x11;
	s8 =	sadd.s32 @!p0 $0x11B8D, s8;
	_ =	swait.eq @!p0 [sflag:s7], $0x1  }
0xb8: {  	s6 =	sor.u32 @!p0 s6, s8;
	[sflag:s7] =	ssyncadd.s32 @!p0 $0xFFFFFFFF  }
0xb9: {  	s25 =	simm.s32 $0x1B8E;
	s24 =	sld [smem:$0x3FFE];
	[sflag:s6] =	ssyncadd.remote.s32 @!p0 $0x1  }
0xba: {  	s26 =	simm.s32 $execute0_lowered;
	[smem:$0x3FD2] =	sst s25  }
0xbb: {  	s7 =	sshll.u32 s26, $0x1;
	_ =	strace $0x80000049;
	[dreg:$0x1] =	wrdreg $0xFFFFFFFF  }
0xbc: {  	s28 =	simm.s32 $_size_execute0_lowered;
	s5 =	sadd.s32 s5, s7;
	[dreg:$0x0] =	wrdreg $0x0  }
0xbd: {  	s7 =	sshll.u32 s28, $0x1;
	[dreg:$0x2] =	wrdreg s5  }
0xbe: {  	[dreg:$0x3] =	wrdreg s7  }
0xbf: {  	[dreg:$0x4] =	wrdreg $0xC0  }
0xc0: {  	_ =	task [dreg:s22], $0x5FFFF  }
0xc1: {  	[dreg:$0x1] =	wrdreg $0xFFFFFFFF  }
0xc2: {  	[dreg:$0x0] =	wrdreg $0x60  }
0xc3: {  	[dreg:$0x2] =	wrdreg s18  }
0xc4: {  	[dreg:$0x3] =	wrdreg s17  }
0xc5: {  	[dreg:$0x4] =	wrdreg s24  }
0xc6: {  	[dreg:$0x5] =	wrdreg $0xA8000  }
0xc7: {  	[dreg:$0x6] =	wrdreg $0xA  }
0xc8: {  	_ =	task.clear_ibuf [dreg:s22], $0x7FFFF;
	_ =	strace $0x90000049  }
0xc9: {  	s29 =	simm.s32 $0xA;
	_ =	strace $0x8000004B  }
0xca: {  	_ =	swait.ge [sflag:s29], $0x1  }
0xcb: {  	[sflag:s29] =	ssyncadd.s32 $0xFFFFFFFF  }
0xcc: {  	_ =	strace $0x9000004B  }
0xcd: {  	_ =	sfence  }
0xce: {  	s30 =	sld [smem:$0x0];
	_ =	sdelay $0x2  }
0xcf: {  	s31 =	sshll.u32 s1, $0xD;
	s1 =	sshrl.u32 s1, $0x2  }
0xd0: {  	s4 =	sand.u32 $0x4000, s31;
	s1 =	sadd.s32 s1, s30  }
0xd1: {  	s0 =	sor.u32 s4, s0;
	s1 =	sshll.u32 s1, $0x11  }
0xd2: {  	s0 =	sor.u32 s1, s0  }
0xd3: {  	s0 =	sadd.s32 $0x8F2B, s0  }
0xd4: {  	[sflag:s0] =	ssyncadd.remote.s32 $0x1  }
0xd5: {  	_ =	sfence.sel $0xFFFF  }
0xd6: {  	[dreg:$0x0] =	wrdreg $0xFFFFFFFF;
	(pc) =	sbr.abs _section_cstart, $3  }
0xd7: {  	[dreg:$0x1] =	wrdreg $0xFFFFFFFF  }
0xd8: {  	_ =	task.clear_ibuf [dreg:s22], $0x2FFFF;
	_ =	strace $0x9FFFFFFF  }
0xd9: {  	(tm) =	ssettm $0x7FFFFFFF  }
tec
execute0_lowered:
.L_overlay_start_1:
0x0: {  	(tag) =	ssettag $0x1  }
0x1: {  	s1 =	rddreg [dreg:$0x0]  }
0x2: {  	s8 =	rddreg [dreg:$0x1]  }
0x3: {  	s5 =	rddreg [dreg:$0x2]  }
0x4: {  	s10 =	rddreg [dreg:$0x3]  }
0x5: {  	s0 =	rddreg [dreg:$0x4]  }
0x6: {  	s4 =	srdreg.scid;
	s2 =	stileid.u32;
	s3 =	simm.s32 $0x0  }
0x7: {  	s17 =	simm.s32 $0x80;
	s18 =	simm.s32 $0x7800;
	s19 =	simm.s32 $0x9000  }
0x8: {  	s20 =	simm.s32 $0x1;
	s21 =	simm.s32 $0x2;
	s11 =	smul.u32 $0xED00, s2  }
0x9: {  	s22 =	simm.s32 $0x0;
	s13 =	sand.u32 $0x1, s4;
	s7 =	smul.u32 $0x78, s2  }
0xa: {  	[smem:$0x7FF] =	sst s3;
	s9 =	sadd.s32 $0x1800, s5;
	s14 =	smul.u32 $0x28, s2  }
0xb: {  	s4 =	sadd.s32 $0x10E00, s5;
	s28 =	smul.u32 $0x3C00, s2;
	s31 =	sshll.u32 s2, $0x6  }
0xc: {  	s6 =	smul.u32 $0xED000, s13;
	_ =	strace $0x8000004A;
	s12 =	ssub.s32 $0x2, s13  }
0xd: {  	p0 =	seq.s32 s13, $0x0;
	s26 =	sshrl.u32 s12, $0x1;
	s14 =	sadd.s32 $0x780, s14  }
0xe: {  	s16 =	sadd.s32 s11, s10;
	s6 =	sadd.s32 s11, s6;
	s12 =	ssub.s32 s12, s26  }
0xf: {  	s14 =	smov.u32 @p0 s7;
	s16 =	sshrl.u32 s16, $0x3;
	s6 =	sshrl.u32 s6, $0x3  }
0x10: {  	s7 =	sshll.u32 s14, $0x4;
	s11 =	smax.u32 s12, $0x1;
	s14 =	simm.s32 $0x3C00  }
0x11: {  	s15 =	sadd.s32 s6, s5;
	s5 =	simm.s32 $0x78;
	s6 =	sshrl.u32 s28, $0x3  }
0x12: {  	s5 =	simm.s32 @!p0 $0x28;
	s29 =	sadd.s32 $0x280, s6;
	s6 =	sadd.s32 s8, s7  }
0x13: {  	s7 =	sadd.s32 s9, s7;
	s10 =	sadd.s32 $0x12C00, s15;
	p0 =	sne.s32 s13, $0x0  }
0x14: {  	s13 =	simm.s32 $0x3;
	s15 =	sor.u32 $0x1C03, s31;
	s30 =	sshrl.u32 s5, $0x1  }
0x15: {  	s8 =	sadd.s32 s8, s29;
	s9 =	sadd.s32 s9, s29;
	s12 =	sadd.s32 $0xFFFFFFFF, s30  }
.LBB2_1:
0x16: {  	[tilespmem:s3], [sflag:$0x3] =	stream.linear.gather [hbm4b:s6+s3], $0x1400, $0x38;
	[tilespmem:$0x19500] =	vst v63  }
0x17: {  	_ =	swait.ge [sflag:s13], $0x1400  }
0x18: {  	[sflag:s13] =	ssyncset.done $0x0  }
0x19: {  	[sflag:s13] =	ssyncadd.s32 $0xFFFFEC00  }
0x1a: {  	[tilespmem:s14], [sflag:$0x3] =	stream.linear.gather [hbm4b:s7+s3], $0x1400, $0x38;
	[tilespmem:$0x19500] =	vst v63  }
0x1b: {  	_ =	swait.ge [sflag:s13], $0x1400  }
0x1c: {  	[sflag:s13] =	ssyncset.done $0x0  }
0x1d: {  	s23 =	simm.s32 @!p0 $0x0;
	s24 =	simm.s32 @!p0 $0x1400;
	[sflag:s13] =	ssyncadd.s32 $0xFFFFEC00  }
0x1e: {  	[tilespmem:s24], [sflag:$0x3] =	stream.linear.gather @!p0 [hbm4b:s8+s23], $0x2800, $0x38;
	[tilespmem:$0x19500] =	vst v63  }
0x1f: {  	s24 =	simm.s32 @!p0 $0x3  }
0x20: {  	_ =	swait.ge @!p0 [sflag:s24], $0x2800  }
0x21: {  	[sflag:s24] =	ssyncset.done @!p0 $0x0  }
0x22: {  	s25 =	simm.s32 @!p0 $0x5000;
	[sflag:s24] =	ssyncadd.s32 @!p0 $0xFFFFD800  }
0x23: {  	[tilespmem:s25], [sflag:$0x3] =	stream.linear.gather @!p0 [hbm4b:s9+s23], $0x2800, $0x38;
	[tilespmem:$0x19500] =	vst v63  }
0x24: {  	_ =	swait.ge @!p0 [sflag:s24], $0x2800  }
0x25: {  	[sflag:s24] =	ssyncset.done @!p0 $0x0  }
0x26: {  	[sflag:s24] =	ssyncadd.s32 @!p0 $0xFFFFD800  }
0x27: {  	[spmem:s16], [sflag:s15] =	dma.local [hbm:s4], $0x1DA0  }
0x28: {  	_ =	swait.ge [sflag:s13], $0x1DA0  }
0x29: {  	[sflag:s13] =	ssyncset.done $0x0  }
0x2a: {  	[sflag:s13] =	ssyncadd.s32 $0xFFFFE260  }
0x2b: {  	[bflag:$0x0] =	sbarrier.arrive $0xFFFF  }
0x2c: {  	[tilespmem:s18], [sflag:$0x1] =	stream.indirect.gather [hbm4b:s1+s17], $0x30, s3, s17, $0xb8;
	[tilespmem:$0x19500] =	vst v63  }
0x2d: {  	p1 =	sle.u32 s5, $0x2  }
0x2e: {  	[tilespmem:s19], [sflag:$0x2] =	stream.indirect.gather [hbm4b:s1+s17], $0x30, s17, s17, $0xb8;
	[tilespmem:$0x19500] =	vst v63  }
0x2f: {  	s26 =	simm.s32 @!p1 $0x80;
	s25 =	sadd.s32 $0xFFFFFFFF, s12;
	_ =	swait.ge [sflag:s20], $0x1800  }
0x30: {  	s28 =	simm.s32 @!p1 $0x7800;
	p2 =	sne.s32 s25, $0x0;
	[sflag:s20] =	ssyncset.done $0x0  }
.Ltmp0:
0x31: {  	s24 =	simm.s32 @!p1 $0x100;
	[sflag:s20] =	ssyncadd.s32 $0xFFFFE800;
	(pc) =	sbr.rel @!p2 .LBB2_3-.Ltmp0, $4  }
0x32: {  	[tilespmem:s28], [sflag:$0x1] =	stream.indirect.gather @!p1 [hbm4b:s1+s26], $0x30, s24, s26, $0xb8;
	[tilespmem:$0x19500] =	vst v63  }
0x33: {  	s23 =	simm.s32 $0x180;
	p1 =	sle.u32 s5, $0x3;
	s24 =	simm.s32 $0x5  }
0x34: {  	s28 =	simm.s32 $0x180;
	s26 =	simm.s32 $0x180;
	_ =	swait.ge [sflag:s21], $0x1800  }
0x35: {  	s29 =	simm.s32 @!p1 $0x80;
	s30 =	simm.s32 @!p1 $0x9000;
	[sflag:s21] =	ssyncset.done $0x0  }
.LBB2_2:
0x36: {  	s26 =	smov.u32 s23  }
0x37: {  	s25 =	sadd.s32 $0xFFFFFFFF, s25;
	s23 =	sadd.s32 $0x100, s23;
	[sflag:s21] =	ssyncadd.s32 $0xFFFFE800  }
0x38: {  	[tilespmem:s30], [sflag:$0x2] =	stream.indirect.gather @!p1 [hbm4b:s1+s29], $0x30, s28, s29, $0xb8;
	[tilespmem:$0x19500] =	vst v63  }
0x39: {  	p2 =	sne.s32 s25, $0x0;
	s28 =	smov.u32 s23;
	s29 =	sadd.s32 $0xFFFFFFFF, s24  }
0x3a: {  	p1 =	sge.u32 s29, s5;
	_ =	swait.ge [sflag:s20], $0x1800  }
0x3b: {  	s29 =	sadd.s32 @!p1 $0xFFFFFF80, s23;
	[sflag:s20] =	ssyncset.done $0x0  }
.Ltmp1:
0x3c: {  	s30 =	simm.s32 @!p1 $0x80;
	s31 =	simm.s32 @!p1 $0x7800;
	(pc) =	sbr.rel @p2 .LBB2_2-.Ltmp1, $4  }
0x3d: {  	[sflag:s20] =	ssyncadd.s32 $0xFFFFE800  }
0x3e: {  	[tilespmem:s31], [sflag:$0x1] =	stream.indirect.gather @!p1 [hbm4b:s1+s30], $0x30, s29, s30, $0xb8;
	[tilespmem:$0x19500] =	vst v63  }
0x3f: {  	p1 =	sge.u32 s24, s5;
	s24 =	sadd.s32 $0x2, s24;
	_ =	swait.ge [sflag:s21], $0x1800  }
0x40: {  	s29 =	simm.s32 @!p1 $0x80;
	s30 =	simm.s32 @!p1 $0x9000;
	[sflag:s21] =	ssyncset.done $0x0  }
.LBB2_3:
0x41: {  	[sflag:s21] =	ssyncadd.s32 $0xFFFFE800;
	s25 =	sadd.s32 $0xFFFFFFFF, s24  }
0x42: {  	[tilespmem:s30], [sflag:$0x2] =	stream.indirect.gather @!p1 [hbm4b:s1+s29], $0x30, s28, s29, $0xb8;
	[tilespmem:$0x19500] =	vst v63  }
0x43: {  	p1 =	sge.u32 s25, s5;
	_ =	swait.ge [sflag:s20], $0x1800  }
0x44: {  	s25 =	sadd.s32 @!p1 $0x80, s26;
	[sflag:s20] =	ssyncset.done $0x0  }
0x45: {  	s26 =	simm.s32 @!p1 $0x80;
	s28 =	simm.s32 @!p1 $0x7800;
	[sflag:s20] =	ssyncadd.s32 $0xFFFFE800  }
0x46: {  	[tilespmem:s28], [sflag:$0x1] =	stream.indirect.gather @!p1 [hbm4b:s1+s26], $0x30, s25, s26, $0xb8;
	[tilespmem:$0x19500] =	vst v63  }
0x47: {  	s23 =	sadd.s32 $0x100, s23;
	_ =	swait.ge [sflag:s21], $0x1800  }
0x48: {  	s22 =	sadd.s32 $0x1, s22;
	p1 =	sge.u32 s24, s5;
	[sflag:s21] =	ssyncset.done $0x0  }
0x49: {  	s24 =	simm.s32 @!p1 $0x80;
	s25 =	simm.s32 @!p1 $0x9000;
	[sflag:s21] =	ssyncadd.s32 $0xFFFFE800  }
0x4a: {  	[tilespmem:s25], [sflag:$0x2] =	stream.indirect.gather @!p1 [hbm4b:s1+s24], $0x30, s23, s24, $0xb8;
	[tilespmem:$0x19500] =	vst v63  }
0x4b: {  	p1 =	sne.s32 s22, s11  }
.Ltmp2:
0x4c: {  	[bflag:$0x0] =	sbarrier.arrive $0xFFFF;
	(pc) =	sbr.rel @p1 .LBB2_1-.Ltmp2, $4  }
0x4d: {  	[hbm:s10], [sflag:s15] =	dma.local [spmem:s16], $0x1DA0  }
0x4e: {  	_ =	swait.ge [sflag:s13], $0x1DA0  }
0x4f: {  	[sflag:s13] =	ssyncset.done $0x0  }
0x50: {  	[sflag:s13] =	ssyncadd.s32 $0xFFFFE260  }
0x51: {  	_ =	sfence.sel $0x180000  }
0x52: {  	[bflag:$0x0] =	sbarrier.arrive $0xFFFF  }
0x53: {  	p0 =	sne.s32 s2, $0x0;
	_ =	strace $0x9000004A  }
0x54: {  	s0 =	sadd.s32 @!p0 $0x100000, s0;
	[bflag:$0x2] =	sbarrier.arrive $0xFFFF  }
0x55: {  	[sflag:s0] =	ssyncadd.tile.s32 @!p0 $0x1;
	_ =	shalt  }
.Lfunc_end2:
_tile_overlayer_lowered:
.L_overlay_start_2:
0x56: {  	(tag) =	ssettag $0x2  }
0x57: {  	s0 =	rddreg [dreg:$0x0];
	s2 =	stileid.u32  }
0x58: {  	s1 =	rddreg [dreg:$0x1];
	p0 =	sne.s32 s2, $0x0  }
0x59: {  	s3 =	rddreg [dreg:$0x2];
	[bflag:$0x3] =	sbarrier.arrive $0xFFFF;
	s2 =	simm.s32 @!p0 $0x1C03  }
0x5a: {  	[timem:s3], [sflag:s2] =	dma.local @!p0 [hbm:s0], s1  }
0x5b: {  	s0 =	simm.s32 @!p0 $0x3  }
0x5c: {  	_ =	swait.ge @!p0 [sflag:s0], s1  }
0x5d: {  	s1 =	ssub.s32 @!p0 $0x0, s1;
	[sflag:s0] =	ssyncset.done @!p0 $0x0  }
0x5e: {  	[sflag:s0] =	ssyncadd.s32 @!p0 s1  }
0x5f: {  	[bflag:$0x3] =	sbarrier.arrive $0xFFFF  }
0x60: {  	_ =	shalt  }

// kernel: kernel.8.cloned.1.call-start
scs
__scs_entry_jumppad:
0x0: {  	(pc) =	sbr.rel $0x88, $3  }
0x1: {  	(tag) =	ssettag $0x0;
	lr =	simm.s32 $0x1  }
0x2: {  	[smem:$0x3F99] =	sst lr;
	_ =	strace $0xD0000000  }
0x3: {  	_ = 	snop  }
0x4: {  	_ = 	snop  }
0x5: {  	_ = 	snop  }
0x6: {  	_ = 	snop  }
0x7: {  	_ = 	snop  }
__scs_overlays_trampoline_lowered:
0x8: {  	[smem:$0x3FA8] =	sst s0  }
0x9: {  	[smem:$0x3FA9] =	sst s1  }
0xa: {  	[smem:$0x3FAA] =	sst s2  }
0xb: {  	[smem:$0x3FAB] =	sst s3  }
0xc: {  	[smem:$0x3FAC] =	sst s4  }
0xd: {  	[smem:$0x3FAD] =	sst s5  }
0xe: {  	[smem:$0x3FAE] =	sst s6  }
0xf: {  	[smem:$0x3FAF] =	sst s7  }
0x10: {  	[smem:$0x3FB0] =	sst s8  }
0x11: {  	[smem:$0x3FB1] =	sst s9;
	s0 =	simm.s32 @!p0 $0x0  }
0x12: {  	s1 =	sld [smem:$0x3F97];
	s0 =	simm.s32 @p0 $0x1  }
0x13: {  	[smem:$0x3FB2] =	sst s0;
	s0 =	simm.s32 @!p1 $0x0  }
0x14: {  	s2 =	sld [smem:$0x3F96];
	s0 =	simm.s32 @p1 $0x1  }
0x15: {  	[smem:$0x3FB3] =	sst s0;
	s0 =	simm.s32 @!p2 $0x0  }
0x16: {  	s3 =	sld [smem:$0x3FDB];
	s0 =	simm.s32 @p2 $0x1  }
0x17: {  	s4 =	simm.s32 $0x1BF5;
	[smem:$0x3FB5] =	sst s0  }
0x18: {  	s0 =	sld [smem:$0x3F98];
	_ =	swait.ge [sflag:s4], $0x0  }
0x19: {  	s7 =	sld [smem:$0x3F99]  }
0x1a: {  	s8 =	sadd.s32 $0xFFFFE003, lr  }
0x1b: {  	s9 =	sadd.s32 $0xFFFFFEF7, lr;
	s5 =	simm.s32 $0xFFFFFFFF;
	p2 =	slt.u32 s8, $0xFFFFF086  }
0x1c: {  	p1 =	slt.u32 s9, $0xF7A;
	s5 =	simm.s32 @!p2 $0x0  }
0x1d: {  	s5 =	simm.s32 @p1 $0x1;
	p0 =	seq.s32 s7, s2  }
0x1e: {  	s7 =	smul.u32 @!p0 $0xF7A, s2;
	p2 =	seq.s32 @!p0 s5, $0x0  }
0x1f: {  	s9 =	smul.u32 $0xF7A, s1;
	s8 =	simm.s32 @!p0 $0x1BF5;
	p2 =	por !p2, p0  }
0x20: {  	[sflag:s8] =	ssyncset.s32 @!p0 $0xFFFFF086;
	s6 =	sadd.s32 @!p0 s3, s7;
	s7 =	simm.s32 @!p0 $0x108  }
0x21: {  	s3 =	sadd.s32 s3, s9;
	s6 =	sadd.s32 @!p0 $0x88, s6;
	s7 =	simm.s32 @p2 $0x1082  }
0x22: {  	[simem:s7], [sflag:s8] =	dma.local @!p0 [hbm:s6], $0xF7A  }
0x23: {  	s9 =	sor.u32 $0xD0000000, s2;
	s6 =	simm.s32 $0x108;
	_ =	swait.ge @!p0 [sflag:s8], $0x0  }
0x24: {  	s3 =	sadd.s32 $0x88, s3;
	s6 =	simm.s32 @!p1 $0x1082;
	[sflag:s4] =	ssyncset.s32 $0xFFFFF086  }
0x25: {  	[simem:s6], [sflag:s4] =	dma.local [hbm:s3], $0xF7A  }
0x26: {  	[smem:$0x3F99] =	sst s1;
	(tag) =	ssettag s2;
	_ =	strace s9  }
0x27: {  	s1 =	sld [smem:$0x3FA9]  }
0x28: {  	s2 =	sld [smem:$0x3FAA]  }
0x29: {  	s4 =	sld [smem:$0x3FAC]  }
0x2a: {  	p0 =	seq.s32 s5, $0x0;
	s5 =	sld [smem:$0x3FAD]  }
0x2b: {  	s6 =	sld [smem:$0x3FAE]  }
0x2c: {  	s7 =	sld [smem:$0x3FAF]  }
0x2d: {  	s3 =	simm.s32 $0x108;
	s8 =	sld [smem:$0x3FB0]  }
0x2e: {  	s3 =	simm.s32 @!p0 $0x1082;
	s9 =	sld [smem:$0x3FB1]  }
0x2f: {  	lr =	sadd.s32 s0, s3;
	s0 =	sld [smem:$0x3FA8]  }
0x30: {  	s3 =	sld [smem:$0x3FAB]  }
0x31: {  	[smem:$0x3FB4] =	sst s10  }
0x32: {  	s10 =	sld [smem:$0x3FB2];
	_ =	sdelay $0x3  }
0x33: {  	p0 =	seq.s32 s10, $0x1;
	s10 =	sld [smem:$0x3FB4];
	_ =	sdelay $0x3  }
0x34: {  	[smem:$0x3FB4] =	sst s10  }
0x35: {  	s10 =	sld [smem:$0x3FB3];
	_ =	sdelay $0x3  }
0x36: {  	p1 =	seq.s32 s10, $0x1;
	s10 =	sld [smem:$0x3FB4];
	_ =	sdelay $0x3  }
0x37: {  	[smem:$0x3FB4] =	sst s10  }
0x38: {  	s10 =	sld [smem:$0x3FB5]  }
0x39: {  	_ = 	snop;
	(pc) =	sbr.ind lr, $3  }
0x3a: {  	_ = 	snop  }
0x3b: {  	_ = 	snop  }
0x3c: {  	p2 =	seq.s32 s10, $0x1;
	s10 =	sld [smem:$0x3FB4]  }
0x3d: {  	_ =	shalt  }
0x3e: {  	_ =	shalt  }
0x3f: {  	_ =	shalt  }
0x40: {  	_ =	shalt  }
0x41: {  	_ =	shalt  }
0x42: {  	_ =	shalt  }
0x43: {  	_ =	shalt  }
0x44: {  	_ =	shalt  }
0x45: {  	_ =	shalt  }
0x46: {  	_ =	shalt  }
0x47: {  	_ =	shalt  }
0x48: {  	_ =	shalt  }
0x49: {  	_ =	shalt  }
0x4a: {  	_ =	shalt  }
0x4b: {  	_ =	shalt  }
0x4c: {  	_ =	shalt  }
0x4d: {  	_ =	shalt  }
0x4e: {  	_ =	shalt  }
0x4f: {  	_ =	shalt  }
0x50: {  	_ =	shalt  }
0x51: {  	_ =	shalt  }
0x52: {  	_ =	shalt  }
0x53: {  	_ =	shalt  }
0x54: {  	_ =	shalt  }
0x55: {  	_ =	shalt  }
0x56: {  	_ =	shalt  }
0x57: {  	_ =	shalt  }
0x58: {  	_ =	shalt  }
0x59: {  	_ =	shalt  }
0x5a: {  	_ =	shalt  }
0x5b: {  	_ =	shalt  }
0x5c: {  	_ =	shalt  }
0x5d: {  	_ =	shalt  }
0x5e: {  	_ =	shalt  }
0x5f: {  	_ =	shalt  }
0x60: {  	_ =	shalt  }
0x61: {  	_ =	shalt  }
0x62: {  	_ =	shalt  }
0x63: {  	_ =	shalt  }
0x64: {  	_ =	shalt  }
0x65: {  	_ =	shalt  }
0x66: {  	_ =	shalt  }
0x67: {  	_ =	shalt  }
0x68: {  	_ =	shalt  }
0x69: {  	_ =	shalt  }
0x6a: {  	_ =	shalt  }
0x6b: {  	_ =	shalt  }
0x6c: {  	_ =	shalt  }
0x6d: {  	_ =	shalt  }
0x6e: {  	_ =	shalt  }
0x6f: {  	_ =	shalt  }
0x70: {  	_ =	shalt  }
0x71: {  	_ =	shalt  }
0x72: {  	_ =	shalt  }
0x73: {  	_ =	shalt  }
0x74: {  	_ =	shalt  }
0x75: {  	_ =	shalt  }
0x76: {  	_ =	shalt  }
0x77: {  	_ =	shalt  }
0x78: {  	_ =	shalt  }
0x79: {  	_ =	shalt  }
0x7a: {  	_ =	shalt  }
0x7b: {  	_ =	shalt  }
0x7c: {  	_ =	shalt  }
0x7d: {  	_ =	shalt  }
0x7e: {  	_ =	shalt  }
0x7f: {  	_ =	shalt  }
0x80: {  	_ =	shalt  }
0x81: {  	_ =	shalt  }
0x82: {  	_ =	shalt  }
0x83: {  	_ =	shalt  }
0x84: {  	_ =	shalt  }
0x85: {  	_ =	shalt  }
0x86: {  	_ =	shalt  }
0x87: {  	_ =	shalt  }
.Lfunc_end0:
.L_simem_size_0:
called_computation_lowered:
.L_overlay_start_0:
0x88: {  	s2 =	sld [smem:$0x3FD9]  }
0x89: {  	s3 =	sld [smem:$0x3FFE];
	_ =	sdelay $0x1  }
0x8a: {  	s1 =	srdreg.scid  }
0x8b: {  	s0 =	sand.u32 $0x1, s1  }
0x8c: {  	s16 =	sshll.u32 s0, $0xA;
	s2 =	sadd.s32 s3, s2  }
0x8d: {  	s2 =	sadd.s32 s2, s16  }
0x8e: {  	[smem:$0x3FC0] =	sst s2  }
0x8f: {  	_ = 	snop  }
0x90: {  	(tm) =	ssettm $0x1  }
0x91: {  	s17 =	sld [smem:$0x3FFB];
	_ =	sdelay $0x3  }
0x92: {  	_ =	strace s17  }
0x93: {  	s2 =	sld [smem:$0x3FFC];
	_ =	sdelay $0x3  }
0x94: {  	_ =	strace s2  }
0x95: {  	s2 =	sld [smem:$0x3FFD];
	_ =	sdelay $0x3  }
0x96: {  	_ =	strace s2  }
0x97: {  	_ =	strace $0x8FFFFFFF  }
0x98: {  	s18 =	sld [smem:$0x3FDB];
	_ =	sdelay $0x1  }
0x99: {  	s19 =	simm.s32 $_scs_section_size  }
0x9a: {  	s4 =	simm.s32 $_size__tile_overlayer_lowered;
	s5 =	simm.s32 $_tile_overlayer_lowered  }
0x9b: {  	s22 =	simm.s32 $0x1BFF;
	s21 =	sshll.u32 s5, $0x1;
	s2 =	sadd.s32 s19, s18  }
0x9c: {  	s6 =	simm.s32 $0x0;
	s20 =	sshll.u32 s4, $0x1;
	s4 =	sadd.s32 s21, s2  }
0x9d: {  	[timem:s6], [sflag:s22] =	dma.local [hbm:s4], s20  }
0x9e: {  	_ =	swait.ge [sflag:s22], s20  }
0x9f: {  	s3 =	ssub.s32 $0x0, s20;
	[sflag:s22] =	ssyncset.done $0x0  }
0xa0: {  	[sflag:s22] =	ssyncadd.s32 s3;
	_ =	sdelay $0x1  }
0xa1: {  	s23 =	simm.s32 $0x1B8B  }
0xa2: {  	_ =	swait.ge [sflag:s23], $0x1  }
0xa3: {  	[sflag:s23] =	ssyncset.done $0x0  }
0xa4: {  	s25 =	simm.s32 $0x1B8E;
	s24 =	sld [smem:$0x3FFE];
	[sflag:s23] =	ssyncadd.s32 $0xFFFFFFFF  }
0xa5: {  	s26 =	simm.s32 $execute0_lowered;
	[smem:$0x3FD2] =	sst s25  }
0xa6: {  	s4 =	sshll.u32 s26, $0x1;
	_ =	strace $0x80000046;
	[dreg:$0x1] =	wrdreg $0xFFFFFFFF  }
0xa7: {  	s28 =	simm.s32 $_size_execute0_lowered;
	s2 =	sadd.s32 s2, s4;
	[dreg:$0x0] =	wrdreg $0x0  }
0xa8: {  	s4 =	sshll.u32 s28, $0x1;
	[dreg:$0x2] =	wrdreg s2  }
0xa9: {  	[dreg:$0x3] =	wrdreg s4  }
0xaa: {  	[dreg:$0x4] =	wrdreg $0xC0  }
0xab: {  	_ =	task [dreg:s6], $0x5FFFF  }
0xac: {  	[dreg:$0x1] =	wrdreg $0xFFFFFFFF  }
0xad: {  	[dreg:$0x0] =	wrdreg $0x60  }
0xae: {  	[dreg:$0x2] =	wrdreg s24  }
0xaf: {  	[dreg:$0x3] =	wrdreg $0x2C000  }
0xb0: {  	[dreg:$0x4] =	wrdreg $0x9  }
0xb1: {  	_ =	task.clear_ibuf [dreg:s6], $0x5FFFF;
	_ =	strace $0x90000046  }
0xb2: {  	s29 =	simm.s32 $0x9;
	_ =	strace $0x80000048  }
0xb3: {  	_ =	swait.ge [sflag:s29], $0x1  }
0xb4: {  	[sflag:s29] =	ssyncadd.s32 $0xFFFFFFFF  }
0xb5: {  	_ =	strace $0x90000048  }
0xb6: {  	_ =	sfence  }
0xb7: {  	s30 =	sld [smem:$0x0];
	_ =	sdelay $0x2  }
0xb8: {  	s31 =	sshll.u32 s1, $0xD;
	s1 =	sshrl.u32 s1, $0x2  }
0xb9: {  	s3 =	sand.u32 $0x4000, s31;
	s1 =	sadd.s32 s1, s30  }
0xba: {  	s0 =	sor.u32 s3, s0;
	s1 =	sshll.u32 s1, $0x11  }
0xbb: {  	s0 =	sor.u32 s1, s0  }
0xbc: {  	s0 =	sadd.s32 $0x8F2B, s0  }
0xbd: {  	[sflag:s0] =	ssyncadd.remote.s32 $0x1  }
0xbe: {  	_ =	sfence.sel $0xFFFF  }
0xbf: {  	[dreg:$0x0] =	wrdreg $0xFFFFFFFF;
	(pc) =	sbr.abs _section_cstart, $3  }
0xc0: {  	[dreg:$0x1] =	wrdreg $0xFFFFFFFF  }
0xc1: {  	_ =	task.clear_ibuf [dreg:s6], $0x2FFFF;
	_ =	strace $0x9FFFFFFF  }
0xc2: {  	(tm) =	ssettm $0x7FFFFFFF  }
0xc3: {  	_ =	shalt  }
tec
execute0_lowered:
.L_overlay_start_1:
0x0: {  	(tag) =	ssettag $0x1  }
0x1: {  	s0 =	srdreg.scid;
	s6 =	rddreg [dreg:$0x0]  }
0x2: {  	s2 =	rddreg [dreg:$0x1];
	s5 =	sand.u32 $0x1, s0  }
0x3: {  	s0 =	stileid.u32;
	s4 =	smul.u32 $0x28000, s5  }
0x4: {  	s1 =	rddreg [dreg:$0x2];
	s7 =	smul.u32 $0x2800, s0  }
0x5: {  	s3 =	simm.s32 $0x0;
	s13 =	simm.s32 $0x80;
	s8 =	smul.u32 $0x13C0, s0  }
0x6: {  	s14 =	simm.s32 $0x0;
	[smem:$0x7FF] =	sst s3;
	s30 =	smul.u32 $0x13C00, s5  }
0x7: {  	_ =	strace $0x80000047;
	s10 =	ssub.s32 $0x2, s5;
	s11 =	sshll.u32 s0, $0x6  }
0x8: {  	s5 =	sadd.s32 $0xB800, s6;
	s31 =	sshrl.u32 s10, $0x1;
	s11 =	sor.u32 $0x1C01, s11  }
0x9: {  	s4 =	sadd.s32 s7, s4;
	s7 =	sadd.s32 s8, s30;
	s10 =	ssub.s32 s10, s31  }
0xa: {  	s12 =	sadd.s32 s8, s2;
	s4 =	sshrl.u32 s4, $0x3;
	s7 =	sshrl.u32 s7, $0x3  }
0xb: {  	s8 =	smax.u32 s10, $0x1;
	s10 =	simm.s32 $0x1;
	s12 =	sshrl.u32 s12, $0x3  }
0xc: {  	s9 =	sadd.s32 s4, s6;
	s4 =	sadd.s32 $0xBC00, s6;
	s7 =	sadd.s32 s7, s6  }
0xd: {  	s6 =	sadd.s32 $0x1800, s9;
	s7 =	sadd.s32 $0xBE00, s7;
	s9 =	simm.s32 $0x2800  }
.LBB2_1:
0xe: {  	[tilespmem:s9], [sflag:$0x1] =	stream.linear.gather [hbm4b:s4+s3], $0x400, $0x38;
	[tilespmem:$0x3FC0] =	vst v63  }
0xf: {  	_ =	swait.ge [sflag:s10], $0x400  }
0x10: {  	[sflag:s10] =	ssyncset.done $0x0  }
0x11: {  	[sflag:s10] =	ssyncadd.s32 $0xFFFFFC00  }
0x12: {  	[tilespmem:s3], [sflag:$0x1] =	stream.linear.gather [hbm4b:s6+s3], $0x2800, $0x38;
	[tilespmem:$0x3FC0] =	vst v63  }
0x13: {  	_ =	swait.ge [sflag:s10], $0x2800  }
0x14: {  	[sflag:s10] =	ssyncset.done $0x0  }
0x15: {  	[sflag:s10] =	ssyncadd.s32 $0xFFFFD800  }
0x16: {  	[spmem:s12], [sflag:s11] =	dma.local [hbm:s5], $0x278  }
0x17: {  	_ =	swait.ge [sflag:s10], $0x278  }
0x18: {  	[sflag:s10] =	ssyncset.done $0x0  }
0x19: {  	[sflag:s10] =	ssyncadd.s32 $0xFFFFFD88  }
0x1a: {  	s15 =	simm.s32 $0x0;
	[bflag:$0x0] =	sbarrier.arrive $0xFFFF  }
0x1b: {  	[spmem:s2] =	stream.indirect.scatter.add.f32 [tilespmem:s9], [sflag:$0x1], $0x8, s15, s13, $0xb8;
	[tilespmem:$0x3FC0] =	vst v63  }
0x1c: {  	_ =	swait.ge [sflag:s10], $0x400  }
0x1d: {  	s15 =	simm.s32 $0x200;
	[sflag:s10] =	ssyncset.done $0x0  }
.LBB2_2:
0x1e: {  	s16 =	sshra.s32 s15, $0x2;
	[sflag:s10] =	ssyncadd.s32 $0xFFFFFC00;
	p0 =	sne.s32 s15, $0x9E00  }
0x1f: {  	[spmem:s2] =	stream.indirect.scatter.add.f32 [tilespmem:s9], [sflag:$0x1], $0x8, s16, s13, $0xb8;
	[tilespmem:$0x3FC0] =	vst v63  }
.Ltmp0:
0x20: {  	_ = 	snop;
	(pc) =	sbr.rel @p0 .LBB2_2-.Ltmp0, $4  }
0x21: {  	_ = 	snop  }
0x22: {  	s15 =	sadd.s32 $0x200, s15  }
0x23: {  	_ =	swait.ge [sflag:s10], $0x400  }
0x24: {  	[sflag:s10] =	ssyncset.done $0x0  }
0x25: {  	s14 =	sadd.s32 $0x1, s14  }
0x26: {  	[sflag:s10] =	ssyncadd.s32 $0xFFFFFC00;
	p0 =	sne.s32 s14, s8  }
.Ltmp1:
0x27: {  	[bflag:$0x0] =	sbarrier.arrive $0xFFFF;
	(pc) =	sbr.rel @p0 .LBB2_1-.Ltmp1, $4  }
0x28: {  	[hbm:s7], [sflag:s11] =	dma.local [spmem:s12], $0x278  }
0x29: {  	_ =	swait.ge [sflag:s10], $0x278  }
0x2a: {  	[sflag:s10] =	ssyncset.done $0x0  }
0x2b: {  	[sflag:s10] =	ssyncadd.s32 $0xFFFFFD88  }
0x2c: {  	_ =	sfence.sel $0x180000  }
0x2d: {  	[bflag:$0x0] =	sbarrier.arrive $0xFFFF  }
0x2e: {  	p0 =	sne.s32 s0, $0x0;
	_ =	strace $0x90000047  }
0x2f: {  	s0 =	sadd.s32 @!p0 $0x100000, s1;
	[bflag:$0x2] =	sbarrier.arrive $0xFFFF  }
0x30: {  	[sflag:s0] =	ssyncadd.tile.s32 @!p0 $0x1;
	_ =	shalt  }
.Lfunc_end2:
_tile_overlayer_lowered:
.L_overlay_start_2:
0x31: {  	(tag) =	ssettag $0x2  }
0x32: {  	s0 =	rddreg [dreg:$0x0];
	s2 =	stileid.u32  }
0x33: {  	s1 =	rddreg [dreg:$0x1];
	p0 =	sne.s32 s2, $0x0  }
0x34: {  	s3 =	rddreg [dreg:$0x2];
	[bflag:$0x3] =	sbarrier.arrive $0xFFFF;
	s2 =	simm.s32 @!p0 $0x1C01  }
0x35: {  	[timem:s3], [sflag:s2] =	dma.local @!p0 [hbm:s0], s1  }
0x36: {  	s0 =	simm.s32 @!p0 $0x1  }
0x37: {  	_ =	swait.ge @!p0 [sflag:s0], s1  }
0x38: {  	s1 =	ssub.s32 @!p0 $0x0, s1;
	[sflag:s0] =	ssyncset.done @!p0 $0x0  }
0x39: {  	[sflag:s0] =	ssyncadd.s32 @!p0 s1  }
0x3a: {  	[bflag:$0x3] =	sbarrier.arrive $0xFFFF  }
0x3b: {  	_ =	shalt  }

</sc_bundles>
